<compile_context>
chip_gen: v7x
topology: tpu7x:2x2x1
jax: 0.10.2.dev20260603
libtpu: 0.0.44.dev20260713+nightly
codegen_flags: <defaults>
</compile_context>

<pallas_src>
import functools

import jax
import jax.numpy as jnp
from jax import lax
from jax.experimental import pallas as pl
from jax.experimental.pallas import tpu as pltpu
from jax.experimental.pallas import tpu_sc as plsc

D = 256
S = 512
B = 8
NB = 256
T_OUT = 2048
DUR_MAX = 300.0

SC_NC = 2
SC_NS = 16
SC_NW = SC_NC * SC_NS
ROWS = B * T_OUT
RPW = ROWS // SC_NW
CH = 128
NCH = RPW // CH


CAP = 128
CHF = CAP * B // SC_NW


def _tc_body(x_ref, mask_ref, tril_ref, w1_ref, b1_ref,
             dg0, dbt0, dw1, db1, dg1, dbt1, dlw, dlb,
             pg0, pbt0, pw1, pb1, pg1, pbt1, plw, plb,
             eg0, ebt0, ew1, eb1, eg1, ebt1, elw, elb,
             pemb_ref, eemb_ref,
             hpad_ref, gidx_ref, cum_ref, len_ref):
    b = pl.program_id(0)

    @pl.when(b == B)
    def _():
        hpad_ref[...] = jnp.zeros_like(hpad_ref)
        gidx_ref[...] = jnp.zeros_like(gidx_ref)
        cum_ref[...] = jnp.zeros_like(cum_ref)
        len_ref[...] = jnp.zeros_like(len_ref)

    @pl.when(b < B)
    def _():
        x = x_ref[0]
        mask = mask_ref[0]
        z = jnp.zeros((1, D), jnp.float32)

        def shifts(h):
            h_prev = jnp.concatenate([z, h[:-1, :]], axis=0)
            h_next = jnp.concatenate([h[1:, :], z], axis=0)
            return jnp.concatenate([h_prev, h, h_next], axis=1)

        def layernorm(y, gr, btr):
            m = jnp.mean(y, axis=1, keepdims=True)
            v = jnp.mean((y - m) ** 2, axis=1, keepdims=True)
            return (y - m) / jnp.sqrt(v + 1e-5) * gr[...] + btr[...]

        y1 = jnp.dot(shifts(x), w1_ref[...],
                     preferred_element_type=jnp.float32) + b1_ref[...]
        y1 = jnp.maximum(y1, 0.0)

        def predictor(col, g0, bt0, w1, b1, g1, bt1, lw, lb):
            h = layernorm(y1[:, col * D:(col + 1) * D], g0, bt0)
            y = jnp.dot(shifts(h), w1[...],
                        preferred_element_type=jnp.float32) + b1[...]
            y = jnp.maximum(y, 0.0)
            h = layernorm(y, g1, bt1)
            o = jnp.dot(h, lw[...],
                        preferred_element_type=jnp.float32) + lb[...]
            return jnp.where(mask == 0.0, 0.0, o)

        log_d = predictor(0, dg0, dbt0, dw1, db1, dg1, dbt1, dlw, dlb)
        d = jnp.round(jnp.exp(log_d) - 1.0)
        d = jnp.where(jnp.isnan(d), 0.0, d)
        d = jnp.clip(d, 0.0, DUR_MAX)
        cum = jnp.dot(tril_ref[...], d, preferred_element_type=jnp.float32)
        cum_ref[...] = cum.reshape(1, S, 1)
        t_row = lax.broadcasted_iota(jnp.int32, (1, CAP), 1).astype(jnp.float32)
        ge = (cum <= t_row).astype(jnp.float32)
        idx = jnp.sum(ge, axis=0, keepdims=True)
        idx_i = idx.astype(jnp.int32)
        g = jnp.where(idx_i >= S, B * S, idx_i + b * S)
        gidx_ref[...] = g.reshape(1, 1, CAP)
        total = jnp.max(cum)
        len_ref[...] = jnp.full((1, 1, 8), total.astype(jnp.int32), jnp.int32)

        lanes = lax.broadcasted_iota(jnp.int32, (S, NB), 1).astype(jnp.float32)

        def onehot(o, lo, hi, scale):
            oc = jnp.clip(o, lo, hi)
            cnt = jnp.ceil((oc - lo) * scale)
            return (lanes == cnt).astype(jnp.float32)

        pitch = predictor(1, pg0, pbt0, pw1, pb1, pg1, pbt1, plw, plb)
        energy = predictor(2, eg0, ebt0, ew1, eb1, eg1, ebt1, elw, elb)
        oh_p = onehot(pitch * 1.0, -3.0, 3.0, (NB - 2) / 6.0)
        oh_e = onehot(energy * 1.0 + 0.0, 0.0, 1.0, float(NB - 2))
        p_emb = jnp.dot(oh_p, pemb_ref[...],
                        preferred_element_type=jnp.float32)
        e_emb = jnp.dot(oh_e, eemb_ref[...],
                        preferred_element_type=jnp.float32)
        hpad_ref[...] = x + p_emb + e_emb


def _tc_gidx_full_body(cum_ref, gidx_ref):
    b = pl.program_id(0)
    cum = cum_ref[0]
    t_row = lax.broadcasted_iota(jnp.int32, (1, T_OUT), 1).astype(jnp.float32)
    ge = (cum <= t_row).astype(jnp.float32)
    idx_i = jnp.sum(ge, axis=0, keepdims=True).astype(jnp.int32)
    gidx_ref[...] = jnp.where(idx_i >= S, B * S, idx_i + b * S).reshape(1, 1, T_OUT)


def _sc_cap_body(h_hbm, gi_hbm, out_hbm, idx_v, gbuf, sem):
    wid = lax.axis_index("s") * SC_NC + lax.axis_index("c")
    pltpu.sync_copy(gi_hbm.at[pl.ds(wid, 1)], idx_v)
    pltpu.async_copy(h_hbm.at[idx_v.at[0]], gbuf, sem).wait()
    pltpu.sync_copy(gbuf, out_hbm.at[pl.ds(wid * CHF, CHF)])


def _sc_full_body(h_hbm, gi_hbm, out_hbm, idx_v, buf0, buf1, sem0, sem1):
    wid = lax.axis_index("s") * SC_NC + lax.axis_index("c")
    crow = wid * NCH
    rbase = wid * RPW
    pltpu.sync_copy(gi_hbm.at[pl.ds(crow, NCH)], idx_v)
    bufs = (buf0, buf1)
    sems = (sem0, sem1)
    cps = [None] * NCH
    cps[0] = pltpu.async_copy(h_hbm.at[idx_v.at[0]], bufs[0], sems[0])
    for ci in range(NCH):
        if ci + 1 < NCH:
            cps[ci + 1] = pltpu.async_copy(h_hbm.at[idx_v.at[ci + 1]],
                                           bufs[(ci + 1) % 2],
                                           sems[(ci + 1) % 2])
        cps[ci].wait()
        pltpu.sync_copy(bufs[ci % 2], out_hbm.at[pl.ds(rbase + ci * CH, CH)])


_SC_MESH = dict(core_axis_name="c", subcore_axis_name="s",
                num_cores=SC_NC, num_subcores=SC_NS)


@functools.cache
def _sc_expand_full():
    return pl.kernel(
        _sc_full_body,
        out_type=jax.ShapeDtypeStruct((ROWS, D), jnp.float32),
        mesh=plsc.VectorSubcoreMesh(**_SC_MESH),
        scratch_types=[
            pltpu.VMEM((NCH, CH), jnp.int32),
            pltpu.VMEM((CH, D), jnp.float32),
            pltpu.VMEM((CH, D), jnp.float32),
            pltpu.SemaphoreType.DMA,
            pltpu.SemaphoreType.DMA,
        ],
    )


@functools.cache
def _sc_gather_cap():
    return pl.kernel(
        _sc_cap_body,
        out_type=jax.ShapeDtypeStruct((B * CAP, D), jnp.float32),
        mesh=plsc.VectorSubcoreMesh(**_SC_MESH),
        scratch_types=[
            pltpu.VMEM((1, CHF), jnp.int32),
            pltpu.VMEM((CHF, D), jnp.float32),
            pltpu.SemaphoreType.DMA,
        ],
    )


def _gidx_full(cum):
    return pl.pallas_call(
        _tc_gidx_full_body,
        grid=(B,),
        in_specs=[pl.BlockSpec((1, S, 1), lambda b: (b, 0, 0))],
        out_specs=pl.BlockSpec((1, 1, T_OUT), lambda b: (b, 0, 0)),
        out_shape=jax.ShapeDtypeStruct((B, 1, T_OUT), jnp.int32),
    )(cum)


def kernel(x, params, src_mask, max_len):
    f32 = jnp.float32

    def wcat(p, i):
        w = p[f'conv{i}_w']
        return jnp.transpose(w, (2, 1, 0)).reshape(3 * D, D)

    def prep(p):
        return [p['ln0_g'].reshape(1, D), p['ln0_b'].reshape(1, D),
                wcat(p, 1), p['conv1_b'].reshape(1, D),
                p['ln1_g'].reshape(1, D), p['ln1_b'].reshape(1, D),
                p['lin_w'], p['lin_b'].reshape(1, 1)]

    preds = (params['dur'], params['pitch'], params['energy'])
    w1_all = jnp.concatenate([wcat(p, 0) for p in preds], axis=1)
    b1_all = jnp.concatenate(
        [p['conv0_b'] for p in preds]).reshape(1, 3 * D)
    weights = [w1_all, b1_all] + prep(preds[0]) + prep(preds[1]) + prep(preds[2])
    mask_col = src_mask.astype(f32).reshape(B, S, 1)
    r_i = lax.broadcasted_iota(jnp.int32, (S, S), 0)
    c_i = lax.broadcasted_iota(jnp.int32, (S, S), 1)
    tril = (c_i <= r_i).astype(f32)

    full = lambda a: pl.BlockSpec(a.shape, lambda b: tuple(0 for _ in a.shape))
    in_specs = [
        pl.BlockSpec((1, S, D), lambda b: (jnp.minimum(b, B - 1), 0, 0)),
        pl.BlockSpec((1, S, 1), lambda b: (jnp.minimum(b, B - 1), 0, 0)),
        full(tril),
    ] + [full(w) for w in weights] + [
        full(params['pitch_emb']), full(params['energy_emb']),
    ]

    grid = B + 1
    hpad, gidx, cum_raw, len_raw = pl.pallas_call(
        _tc_body,
        grid=(grid,),
        in_specs=in_specs,
        out_specs=[
            pl.BlockSpec((S, D), lambda b: (b, 0)),
            pl.BlockSpec((1, 1, CAP), lambda b: (b, 0, 0)),
            pl.BlockSpec((1, S, 1), lambda b: (b, 0, 0)),
            pl.BlockSpec((1, 1, 8), lambda b: (b, 0, 0)),
        ],
        out_shape=[
            jax.ShapeDtypeStruct((grid * S, D), f32),
            jax.ShapeDtypeStruct((grid, 1, CAP), jnp.int32),
            jax.ShapeDtypeStruct((grid, S, 1), f32),
            jax.ShapeDtypeStruct((grid, 1, 8), jnp.int32),
        ],
    )(x, mask_col, tril, *weights,
      params['pitch_emb'], params['energy_emb'])

    lengths = jnp.minimum(len_raw[:B, 0, 0],
                          jnp.asarray(max_len).astype(jnp.int32))

    def slow_path(h, gic, cum):
        gfull = _gidx_full(cum).reshape(ROWS // CH, CH)
        return _sc_expand_full()(h, gfull).reshape(B, T_OUT, D)

    def fast_path(h, gic, cum):
        gpre = _sc_gather_cap()(h, gic).reshape(B, CAP, D)
        return jnp.concatenate(
            [gpre, jnp.zeros((B, T_OUT - CAP, D), h.dtype)], axis=1)

    out = lax.cond(jnp.max(lengths) > CAP, slow_path, fast_path,
                   hpad, gidx[:B].reshape(B * CAP // CHF, CHF), cum_raw[:B])
    return out, lengths

# --- scband reference (transcript-rebuilt; emitter-appended) ---
"""Pipeline reference for scband-variance-adaptor-1932735283444 (READ-ONLY COPY).

The authoritative reference and input builder live on the scoring server;
editing this copy changes nothing except your own understanding.
"""

import jax, jax.numpy as jnp
import numpy as np

D_MODEL = 256
KERNEL = 3
N_BINS = 256
N_LAYERS = 2
MAX_LEN = 2048


def _make_predictor_params(key):
    ks = jax.random.split(key, 2 * N_LAYERS + 2)
    p = {}
    for i in range(N_LAYERS):
        p[f'conv{i}_w'] = jax.random.normal(ks[2 * i], (D_MODEL, D_MODEL, KERNEL), dtype=jnp.float32) * 0.02
        p[f'conv{i}_b'] = jnp.zeros((D_MODEL,), dtype=jnp.float32)
        p[f'ln{i}_g'] = jnp.ones((D_MODEL,), dtype=jnp.float32)
        p[f'ln{i}_b'] = jnp.zeros((D_MODEL,), dtype=jnp.float32)
    p['lin_w'] = jax.random.normal(ks[-2], (D_MODEL, 1), dtype=jnp.float32) * 0.02
    p['lin_b'] = jnp.zeros((1,), dtype=jnp.float32)
    return p


def setup_inputs(seed: int = 0) -> dict:
    key = jax.random.key(seed)
    k_x, k_d, k_p, k_e, k_pe, k_ee = jax.random.split(key, 6)
    x = jax.random.normal(k_x, (8, 512, D_MODEL), dtype=jnp.float32)
    src_mask = jnp.ones((8, 512), dtype=jnp.int32)
    params = {
        'dur': _make_predictor_params(k_d),
        'pitch': _make_predictor_params(k_p),
        'energy': _make_predictor_params(k_e),
        'pitch_emb': jax.random.normal(k_pe, (N_BINS, D_MODEL), dtype=jnp.float32) * 0.02,
        'energy_emb': jax.random.normal(k_ee, (N_BINS, D_MODEL), dtype=jnp.float32) * 0.02,
    }
    return {'x': x, 'params': params, 'src_mask': src_mask, 'max_len': 2048}


def _conv1d(h, W, b):
    # h: (B, T, C) ; W: (O, I, K)
    y = jax.lax.conv_general_dilated(h.transpose(0, 2, 1), W, (1,), 'SAME',
                                     dimension_numbers=('NCH', 'OIH', 'NCH'))
    y = y + b[None, :, None]
    return y.transpose(0, 2, 1)


def _layernorm(h, g, b):
    m = jnp.mean(h, axis=-1, keepdims=True)
    v = jnp.var(h, axis=-1, keepdims=True)
    return (h - m) / jnp.sqrt(v + 1e-5) * g + b


def _predictor(x, p, mask):
    h = x
    for i in range(N_LAYERS):
        h = _conv1d(h, p[f'conv{i}_w'], p[f'conv{i}_b'])
        h = jax.nn.relu(h)
        h = _layernorm(h, p[f'ln{i}_g'], p[f'ln{i}_b'])
    o = h @ p['lin_w'] + p['lin_b']
    o = o[..., 0]
    o = jnp.where(mask == 0, 0.0, o)
    return o


def reference(x, params, src_mask, max_len):
    B, S, D = x.shape
    # duration prediction (log-domain, standard FastSpeech2 style)
    log_d = _predictor(x, params['dur'], src_mask)
    dur = jnp.round(jnp.exp(log_d) - 1.0)
    dur = jnp.nan_to_num(dur, nan=0.0, posinf=300.0, neginf=0.0)
    dur = jnp.clip(dur, 0.0, 300.0)
    # pitch (pitch_mean/std are None -> bins linspace(-3, 3, n_bins-1))
    pitch = _predictor(x, params['pitch'], src_mask)
    pitch_bins = jnp.linspace(-3.0, 3.0, N_BINS - 1)
    p_to_embed = jnp.clip(pitch * 1.0, -3.0, 3.0)
    p_idx = jnp.clip(jnp.searchsorted(pitch_bins, p_to_embed, side='left'), 0, N_BINS - 1)
    p_emb = jnp.take(params['pitch_emb'], p_idx, axis=0)
    # energy (denormalize: e * (emax - emin) + emin with emin=0, emax=1)
    energy = _predictor(x, params['energy'], src_mask)
    energy_bins = jnp.linspace(0.0, 1.0, N_BINS - 1)
    e_to_embed = jnp.clip(energy * (1.0 - 0.0) + 0.0, 0.0, 1.0)
    e_idx = jnp.clip(jnp.searchsorted(energy_bins, e_to_embed, side='left'), 0, N_BINS - 1)
    e_emb = jnp.take(params['energy_emb'], e_idx, axis=0)
    h = x + p_emb + e_emb
    # length regulator: repeat each frame dur[b, i] times, pad/clip to max_len
    cum = jnp.cumsum(dur, axis=1)  # (B, S)
    t = jnp.arange(MAX_LEN).astype(cum.dtype)
    idx = jax.vmap(lambda c: jnp.searchsorted(c, t, side='right'))(cum)  # (B, max_len)
    idx = jnp.clip(idx, 0, S - 1)
    out = jnp.take_along_axis(h, idx[:, :, None], axis=1)  # (B, max_len, D)
    total = jnp.minimum(cum[:, -1], jnp.asarray(max_len).astype(cum.dtype))
    valid = (t[None, :] < total[:, None]).astype(h.dtype)
    out = out * valid[:, :, None]
    lengths = total.astype(jnp.int32)
    return out, lengths

if __name__ == "__main__":
    import jax
    _d = setup_inputs()
    print(jax.jit(kernel)(*tuple(_d.values())))

</pallas_src>

<mosaic_0001>
#map = affine_map<(d0, d1) -> (0, 0)>
module attributes {stable_mosaic.version = 14 : i64} {
  func.func @_sc_cap_body(%arg0: i32, %arg1: i32, %arg2: memref<4608x256xf32, #tpu.memory_space<hbm>>, %arg3: memref<32x32xi32, #tpu.memory_space<hbm>>, %arg4: memref<1024x256xf32, #tpu.memory_space<hbm>>, %arg5: memref<1x32xi32, #tpu.memory_space<vmem>>, %arg6: memref<32x256xf32, #tpu.memory_space<vmem>>, %arg7: memref<!tpu.dma_semaphore, #tpu.memory_space<semaphore_mem>>) attributes {dimension_semantics = [#tpu.dimension_semantics<core_parallel>, #tpu.dimension_semantics<subcore_parallel>], iteration_bounds = array<i64: 2, 16>, scalar_prefetch = 0 : i64, scratch_operands = 3 : i64, tpu.core_type = #tpu.core_type<sc_vector_subcore>, window_params = [{transform_indices = #map}, {transform_indices = #map}, {transform_indices = #map}]} {
    %mul3A = arith.constant 2 : i32
    %mul3A_0 = arith.muli %arg1, %mul3A : i32
    %add3A = arith.addi %mul3A_0, %arg0 : i32
    "tpu.region"() ({
      %run_scoped3A = tpu.sem_alloc : memref<!tpu.dma_semaphore, #tpu.memory_space<semaphore_mem>>
      %dma_start3A_15 = arith.constant 0 : i32
      %dma_start3A_16 = tpu.memref_slice %arg3[%add3A, %dma_start3A_15] : memref<32x32xi32, #tpu.memory_space<hbm>> -> memref<1x32xi32, #tpu.memory_space<hbm>>
      %dma_start3A_17 = arith.constant 0 : i32
      %dma_start3A_18 = tpu.memref_slice %arg3[%add3A, %dma_start3A_17] : memref<32x32xi32, #tpu.memory_space<hbm>> -> memref<1x32xi32, #tpu.memory_space<hbm>>
      tpu.enqueue_dma source(%dma_start3A_18 : memref<1x32xi32, #tpu.memory_space<hbm>>) target(%arg5 : memref<1x32xi32, #tpu.memory_space<vmem>>) target_semaphore(%run_scoped3A : memref<!tpu.dma_semaphore, #tpu.memory_space<semaphore_mem>>)
      %dma_wait3A_19 = arith.constant 0 : i32
      %dma_wait3A_20 = tpu.memref_slice %arg3[%add3A, %dma_wait3A_19] : memref<32x32xi32, #tpu.memory_space<hbm>> -> memref<1x32xi32, #tpu.memory_space<hbm>>
      %dma_wait3A_21 = arith.constant 0 : i32
      %dma_wait3A_22 = tpu.memref_slice %arg3[%add3A, %dma_wait3A_21] : memref<32x32xi32, #tpu.memory_space<hbm>> -> memref<1x32xi32, #tpu.memory_space<hbm>>
      tpu.wait_dma2 semaphore(%run_scoped3A : memref<!tpu.dma_semaphore, #tpu.memory_space<semaphore_mem>>) src(%dma_wait3A_22 : memref<1x32xi32, #tpu.memory_space<hbm>>) dst(%arg5 : memref<1x32xi32, #tpu.memory_space<vmem>>)
      tpu.yield
    }) : () -> ()
    %dma_start3A = arith.constant 0 : i32
    %dma_start3A_1 = arith.constant 0 : i32
    %dma_start3A_2 = tpu.memref_slice %arg5[%dma_start3A, %dma_start3A_1] : memref<1x32xi32, #tpu.memory_space<vmem>> -> memref<1x32xi32, #tpu.memory_space<vmem>>
    %dma_start3A_3 = tpu.memref_squeeze %dma_start3A_2 : memref<1x32xi32, #tpu.memory_space<vmem>> -> memref<32xi32, #tpu.memory_space<vmem>>
    %dma_start3A_4 = arith.constant 0 : i32
    %dma_start3A_5 = arith.constant 0 : i32
    %dma_start3A_6 = tpu.memref_slice %arg2[%dma_start3A_4, %dma_start3A_5] : memref<4608x256xf32, #tpu.memory_space<hbm>> -> memref<4608x256xf32, #tpu.memory_space<hbm>>
    tpu.enqueue_indirect_dma source(%dma_start3A_6 : memref<4608x256xf32, #tpu.memory_space<hbm>>) target(%arg6 : memref<32x256xf32, #tpu.memory_space<vmem>>) offsets(%dma_start3A_3 : memref<32xi32, #tpu.memory_space<vmem>>) semaphore(%arg7 : memref<!tpu.dma_semaphore, #tpu.memory_space<semaphore_mem>>)
    %dma_wait3A = arith.constant 0 : i32
    %dma_wait3A_7 = arith.constant 0 : i32
    %dma_wait3A_8 = tpu.memref_slice %arg5[%dma_wait3A, %dma_wait3A_7] : memref<1x32xi32, #tpu.memory_space<vmem>> -> memref<1x32xi32, #tpu.memory_space<vmem>>
    %dma_wait3A_9 = tpu.memref_squeeze %dma_wait3A_8 : memref<1x32xi32, #tpu.memory_space<vmem>> -> memref<32xi32, #tpu.memory_space<vmem>>
    %dma_wait3A_10 = arith.constant 0 : i32
    %dma_wait3A_11 = arith.constant 0 : i32
    %dma_wait3A_12 = tpu.memref_slice %arg2[%dma_wait3A_10, %dma_wait3A_11] : memref<4608x256xf32, #tpu.memory_space<hbm>> -> memref<4608x256xf32, #tpu.memory_space<hbm>>
    tpu.wait_indirect_dma semaphore(%arg7 : memref<!tpu.dma_semaphore, #tpu.memory_space<semaphore_mem>>) src(%dma_wait3A_12 : memref<4608x256xf32, #tpu.memory_space<hbm>>) dst(%arg6 : memref<32x256xf32, #tpu.memory_space<vmem>>)
    %mul3A_13 = arith.constant 32 : i32
    %mul3A_14 = arith.muli %add3A, %mul3A_13 : i32
    "tpu.region"() ({
      %run_scoped3A = tpu.sem_alloc : memref<!tpu.dma_semaphore, #tpu.memory_space<semaphore_mem>>
      %dma_start3A_15 = arith.constant 0 : i32
      %dma_start3A_16 = tpu.memref_slice %arg4[%mul3A_14, %dma_start3A_15] : memref<1024x256xf32, #tpu.memory_space<hbm>> -> memref<32x256xf32, #tpu.memory_space<hbm>>
      %dma_start3A_17 = arith.constant 0 : i32
      %dma_start3A_18 = tpu.memref_slice %arg4[%mul3A_14, %dma_start3A_17] : memref<1024x256xf32, #tpu.memory_space<hbm>> -> memref<32x256xf32, #tpu.memory_space<hbm>>
      tpu.enqueue_dma source(%arg6 : memref<32x256xf32, #tpu.memory_space<vmem>>) target(%dma_start3A_18 : memref<32x256xf32, #tpu.memory_space<hbm>>) target_semaphore(%run_scoped3A : memref<!tpu.dma_semaphore, #tpu.memory_space<semaphore_mem>>)
      %dma_wait3A_19 = arith.constant 0 : i32
      %dma_wait3A_20 = tpu.memref_slice %arg4[%mul3A_14, %dma_wait3A_19] : memref<1024x256xf32, #tpu.memory_space<hbm>> -> memref<32x256xf32, #tpu.memory_space<hbm>>
      %dma_wait3A_21 = arith.constant 0 : i32
      %dma_wait3A_22 = tpu.memref_slice %arg4[%mul3A_14, %dma_wait3A_21] : memref<1024x256xf32, #tpu.memory_space<hbm>> -> memref<32x256xf32, #tpu.memory_space<hbm>>
      tpu.wait_dma2 semaphore(%run_scoped3A : memref<!tpu.dma_semaphore, #tpu.memory_space<semaphore_mem>>) src(%arg6 : memref<32x256xf32, #tpu.memory_space<vmem>>) dst(%dma_wait3A_22 : memref<32x256xf32, #tpu.memory_space<hbm>>)
      tpu.yield
    }) : () -> ()
    return
  }
}

#map = affine_map<(d0, d1) -> (0, 0)>
module attributes {stable_mosaic.version = 14 : i64} {
  func.func @_sc_full_body(%arg0: i32, %arg1: i32, %arg2: memref<4608x256xf32, #tpu.memory_space<hbm>>, %arg3: memref<128x128xi32, #tpu.memory_space<hbm>>, %arg4: memref<16384x256xf32, #tpu.memory_space<hbm>>, %arg5: memref<4x128xi32, #tpu.memory_space<vmem>>, %arg6: memref<128x256xf32, #tpu.memory_space<vmem>>, %arg7: memref<128x256xf32, #tpu.memory_space<vmem>>, %arg8: memref<!tpu.dma_semaphore, #tpu.memory_space<semaphore_mem>>, %arg9: memref<!tpu.dma_semaphore, #tpu.memory_space<semaphore_mem>>) attributes {dimension_semantics = [#tpu.dimension_semantics<core_parallel>, #tpu.dimension_semantics<subcore_parallel>], iteration_bounds = array<i64: 2, 16>, scalar_prefetch = 0 : i64, scratch_operands = 5 : i64, tpu.core_type = #tpu.core_type<sc_vector_subcore>, window_params = [{transform_indices = #map}, {transform_indices = #map}, {transform_indices = #map}]} {
    %mul3A = arith.constant 2 : i32
    %mul3A_0 = arith.muli %arg1, %mul3A : i32
    %add3A = arith.addi %mul3A_0, %arg0 : i32
    %mul3A_1 = arith.constant 4 : i32
    %mul3A_2 = arith.muli %add3A, %mul3A_1 : i32
    %mul3A_3 = arith.constant 512 : i32
    %mul3A_4 = arith.muli %add3A, %mul3A_3 : i32
    "tpu.region"() ({
      %run_scoped3A = tpu.sem_alloc : memref<!tpu.dma_semaphore, #tpu.memory_space<semaphore_mem>>
      %dma_start3A_67 = arith.constant 0 : i32
      %dma_start3A_68 = tpu.memref_slice %arg3[%mul3A_2, %dma_start3A_67] : memref<128x128xi32, #tpu.memory_space<hbm>> -> memref<4x128xi32, #tpu.memory_space<hbm>>
      %dma_start3A_69 = arith.constant 0 : i32
      %dma_start3A_70 = tpu.memref_slice %arg3[%mul3A_2, %dma_start3A_69] : memref<128x128xi32, #tpu.memory_space<hbm>> -> memref<4x128xi32, #tpu.memory_space<hbm>>
      tpu.enqueue_dma source(%dma_start3A_70 : memref<4x128xi32, #tpu.memory_space<hbm>>) target(%arg5 : memref<4x128xi32, #tpu.memory_space<vmem>>) target_semaphore(%run_scoped3A : memref<!tpu.dma_semaphore, #tpu.memory_space<semaphore_mem>>)
      %dma_wait3A_71 = arith.constant 0 : i32
      %dma_wait3A_72 = tpu.memref_slice %arg3[%mul3A_2, %dma_wait3A_71] : memref<128x128xi32, #tpu.memory_space<hbm>> -> memref<4x128xi32, #tpu.memory_space<hbm>>
      %dma_wait3A_73 = arith.constant 0 : i32
      %dma_wait3A_74 = tpu.memref_slice %arg3[%mul3A_2, %dma_wait3A_73] : memref<128x128xi32, #tpu.memory_space<hbm>> -> memref<4x128xi32, #tpu.memory_space<hbm>>
      tpu.wait_dma2 semaphore(%run_scoped3A : memref<!tpu.dma_semaphore, #tpu.memory_space<semaphore_mem>>) src(%dma_wait3A_74 : memref<4x128xi32, #tpu.memory_space<hbm>>) dst(%arg5 : memref<4x128xi32, #tpu.memory_space<vmem>>)
      tpu.yield
    }) : () -> ()
    %dma_start3A = arith.constant 0 : i32
    %dma_start3A_5 = arith.constant 0 : i32
    %dma_start3A_6 = tpu.memref_slice %arg5[%dma_start3A, %dma_start3A_5] : memref<4x128xi32, #tpu.memory_space<vmem>> -> memref<1x128xi32, #tpu.memory_space<vmem>>
    %dma_start3A_7 = tpu.memref_squeeze %dma_start3A_6 : memref<1x128xi32, #tpu.memory_space<vmem>> -> memref<128xi32, #tpu.memory_space<vmem>>
    %dma_start3A_8 = arith.constant 0 : i32
    %dma_start3A_9 = arith.constant 0 : i32
    %dma_start3A_10 = tpu.memref_slice %arg2[%dma_start3A_8, %dma_start3A_9] : memref<4608x256xf32, #tpu.memory_space<hbm>> -> memref<4608x256xf32, #tpu.memory_space<hbm>>
    tpu.enqueue_indirect_dma source(%dma_start3A_10 : memref<4608x256xf32, #tpu.memory_space<hbm>>) target(%arg6 : memref<128x256xf32, #tpu.memory_space<vmem>>) offsets(%dma_start3A_7 : memref<128xi32, #tpu.memory_space<vmem>>) semaphore(%arg8 : memref<!tpu.dma_semaphore, #tpu.memory_space<semaphore_mem>>)
    %dma_start3A_11 = arith.constant 1 : i32
    %dma_start3A_12 = arith.constant 0 : i32
    %dma_start3A_13 = tpu.memref_slice %arg5[%dma_start3A_11, %dma_start3A_12] : memref<4x128xi32, #tpu.memory_space<vmem>> -> memref<1x128xi32, #tpu.memory_space<vmem>>
    %dma_start3A_14 = tpu.memref_squeeze %dma_start3A_13 : memref<1x128xi32, #tpu.memory_space<vmem>> -> memref<128xi32, #tpu.memory_space<vmem>>
    %dma_start3A_15 = arith.constant 0 : i32
    %dma_start3A_16 = arith.constant 0 : i32
    %dma_start3A_17 = tpu.memref_slice %arg2[%dma_start3A_15, %dma_start3A_16] : memref<4608x256xf32, #tpu.memory_space<hbm>> -> memref<4608x256xf32, #tpu.memory_space<hbm>>
    tpu.enqueue_indirect_dma source(%dma_start3A_17 : memref<4608x256xf32, #tpu.memory_space<hbm>>) target(%arg7 : memref<128x256xf32, #tpu.memory_space<vmem>>) offsets(%dma_start3A_14 : memref<128xi32, #tpu.memory_space<vmem>>) semaphore(%arg9 : memref<!tpu.dma_semaphore, #tpu.memory_space<semaphore_mem>>)
    %dma_wait3A = arith.constant 0 : i32
    %dma_wait3A_18 = arith.constant 0 : i32
    %dma_wait3A_19 = tpu.memref_slice %arg5[%dma_wait3A, %dma_wait3A_18] : memref<4x128xi32, #tpu.memory_space<vmem>> -> memref<1x128xi32, #tpu.memory_space<vmem>>
    %dma_wait3A_20 = tpu.memref_squeeze %dma_wait3A_19 : memref<1x128xi32, #tpu.memory_space<vmem>> -> memref<128xi32, #tpu.memory_space<vmem>>
    %dma_wait3A_21 = arith.constant 0 : i32
    %dma_wait3A_22 = arith.constant 0 : i32
    %dma_wait3A_23 = tpu.memref_slice %arg2[%dma_wait3A_21, %dma_wait3A_22] : memref<4608x256xf32, #tpu.memory_space<hbm>> -> memref<4608x256xf32, #tpu.memory_space<hbm>>
    tpu.wait_indirect_dma semaphore(%arg8 : memref<!tpu.dma_semaphore, #tpu.memory_space<semaphore_mem>>) src(%dma_wait3A_23 : memref<4608x256xf32, #tpu.memory_space<hbm>>) dst(%arg6 : memref<128x256xf32, #tpu.memory_space<vmem>>)
    %add3A_24 = arith.constant 0 : i32
    %add3A_25 = arith.addi %mul3A_4, %add3A_24 : i32
    "tpu.region"() ({
      %run_scoped3A = tpu.sem_alloc : memref<!tpu.dma_semaphore, #tpu.memory_space<semaphore_mem>>
      %dma_start3A_67 = arith.constant 0 : i32
      %dma_start3A_68 = tpu.memref_slice %arg4[%add3A_25, %dma_start3A_67] : memref<16384x256xf32, #tpu.memory_space<hbm>> -> memref<128x256xf32, #tpu.memory_space<hbm>>
      %dma_start3A_69 = arith.constant 0 : i32
      %dma_start3A_70 = tpu.memref_slice %arg4[%add3A_25, %dma_start3A_69] : memref<16384x256xf32, #tpu.memory_space<hbm>> -> memref<128x256xf32, #tpu.memory_space<hbm>>
      tpu.enqueue_dma source(%arg6 : memref<128x256xf32, #tpu.memory_space<vmem>>) target(%dma_start3A_70 : memref<128x256xf32, #tpu.memory_space<hbm>>) target_semaphore(%run_scoped3A : memref<!tpu.dma_semaphore, #tpu.memory_space<semaphore_mem>>)
      %dma_wait3A_71 = arith.constant 0 : i32
      %dma_wait3A_72 = tpu.memref_slice %arg4[%add3A_25, %dma_wait3A_71] : memref<16384x256xf32, #tpu.memory_space<hbm>> -> memref<128x256xf32, #tpu.memory_space<hbm>>
      %dma_wait3A_73 = arith.constant 0 : i32
      %dma_wait3A_74 = tpu.memref_slice %arg4[%add3A_25, %dma_wait3A_73] : memref<16384x256xf32, #tpu.memory_space<hbm>> -> memref<128x256xf32, #tpu.memory_space<hbm>>
      tpu.wait_dma2 semaphore(%run_scoped3A : memref<!tpu.dma_semaphore, #tpu.memory_space<semaphore_mem>>) src(%arg6 : memref<128x256xf32, #tpu.memory_space<vmem>>) dst(%dma_wait3A_74 : memref<128x256xf32, #tpu.memory_space<hbm>>)
      tpu.yield
    }) : () -> ()
    %dma_start3A_26 = arith.constant 2 : i32
    %dma_start3A_27 = arith.constant 0 : i32
    %dma_start3A_28 = tpu.memref_slice %arg5[%dma_start3A_26, %dma_start3A_27] : memref<4x128xi32, #tpu.memory_space<vmem>> -> memref<1x128xi32, #tpu.memory_space<vmem>>
    %dma_start3A_29 = tpu.memref_squeeze %dma_start3A_28 : memref<1x128xi32, #tpu.memory_space<vmem>> -> memref<128xi32, #tpu.memory_space<vmem>>
    %dma_start3A_30 = arith.constant 0 : i32
    %dma_start3A_31 = arith.constant 0 : i32
    %dma_start3A_32 = tpu.memref_slice %arg2[%dma_start3A_30, %dma_start3A_31] : memref<4608x256xf32, #tpu.memory_space<hbm>> -> memref<4608x256xf32, #tpu.memory_space<hbm>>
    tpu.enqueue_indirect_dma source(%dma_start3A_32 : memref<4608x256xf32, #tpu.memory_space<hbm>>) target(%arg6 : memref<128x256xf32, #tpu.memory_space<vmem>>) offsets(%dma_start3A_29 : memref<128xi32, #tpu.memory_space<vmem>>) semaphore(%arg8 : memref<!tpu.dma_semaphore, #tpu.memory_space<semaphore_mem>>)
    %dma_wait3A_33 = arith.constant 1 : i32
    %dma_wait3A_34 = arith.constant 0 : i32
    %dma_wait3A_35 = tpu.memref_slice %arg5[%dma_wait3A_33, %dma_wait3A_34] : memref<4x128xi32, #tpu.memory_space<vmem>> -> memref<1x128xi32, #tpu.memory_space<vmem>>
    %dma_wait3A_36 = tpu.memref_squeeze %dma_wait3A_35 : memref<1x128xi32, #tpu.memory_space<vmem>> -> memref<128xi32, #tpu.memory_space<vmem>>
    %dma_wait3A_37 = arith.constant 0 : i32
    %dma_wait3A_38 = arith.constant 0 : i32
    %dma_wait3A_39 = tpu.memref_slice %arg2[%dma_wait3A_37, %dma_wait3A_38] : memref<4608x256xf32, #tpu.memory_space<hbm>> -> memref<4608x256xf32, #tpu.memory_space<hbm>>
    tpu.wait_indirect_dma semaphore(%arg9 : memref<!tpu.dma_semaphore, #tpu.memory_space<semaphore_mem>>) src(%dma_wait3A_39 : memref<4608x256xf32, #tpu.memory_space<hbm>>) dst(%arg7 : memref<128x256xf32, #tpu.memory_space<vmem>>)
    %add3A_40 = arith.constant 128 : i32
    %add3A_41 = arith.addi %mul3A_4, %add3A_40 : i32
    "tpu.region"() ({
      %run_scoped3A = tpu.sem_alloc : memref<!tpu.dma_semaphore, #tpu.memory_space<semaphore_mem>>
      %dma_start3A_67 = arith.constant 0 : i32
      %dma_start3A_68 = tpu.memref_slice %arg4[%add3A_41, %dma_start3A_67] : memref<16384x256xf32, #tpu.memory_space<hbm>> -> memref<128x256xf32, #tpu.memory_space<hbm>>
      %dma_start3A_69 = arith.constant 0 : i32
      %dma_start3A_70 = tpu.memref_slice %arg4[%add3A_41, %dma_start3A_69] : memref<16384x256xf32, #tpu.memory_space<hbm>> -> memref<128x256xf32, #tpu.memory_space<hbm>>
      tpu.enqueue_dma source(%arg7 : memref<128x256xf32, #tpu.memory_space<vmem>>) target(%dma_start3A_70 : memref<128x256xf32, #tpu.memory_space<hbm>>) target_semaphore(%run_scoped3A : memref<!tpu.dma_semaphore, #tpu.memory_space<semaphore_mem>>)
      %dma_wait3A_71 = arith.constant 0 : i32
      %dma_wait3A_72 = tpu.memref_slice %arg4[%add3A_41, %dma_wait3A_71] : memref<16384x256xf32, #tpu.memory_space<hbm>> -> memref<128x256xf32, #tpu.memory_space<hbm>>
      %dma_wait3A_73 = arith.constant 0 : i32
      %dma_wait3A_74 = tpu.memref_slice %arg4[%add3A_41, %dma_wait3A_73] : memref<16384x256xf32, #tpu.memory_space<hbm>> -> memref<128x256xf32, #tpu.memory_space<hbm>>
      tpu.wait_dma2 semaphore(%run_scoped3A : memref<!tpu.dma_semaphore, #tpu.memory_space<semaphore_mem>>) src(%arg7 : memref<128x256xf32, #tpu.memory_space<vmem>>) dst(%dma_wait3A_74 : memref<128x256xf32, #tpu.memory_space<hbm>>)
      tpu.yield
    }) : () -> ()
    %dma_start3A_42 = arith.constant 3 : i32
    %dma_start3A_43 = arith.constant 0 : i32
    %dma_start3A_44 = tpu.memref_slice %arg5[%dma_start3A_42, %dma_start3A_43] : memref<4x128xi32, #tpu.memory_space<vmem>> -> memref<1x128xi32, #tpu.memory_space<vmem>>
    %dma_start3A_45 = tpu.memref_squeeze %dma_start3A_44 : memref<1x128xi32, #tpu.memory_space<vmem>> -> memref<128xi32, #tpu.memory_space<vmem>>
    %dma_start3A_46 = arith.constant 0 : i32
    %dma_start3A_47 = arith.constant 0 : i32
    %dma_start3A_48 = tpu.memref_slice %arg2[%dma_start3A_46, %dma_start3A_47] : memref<4608x256xf32, #tpu.memory_space<hbm>> -> memref<4608x256xf32, #tpu.memory_space<hbm>>
    tpu.enqueue_indirect_dma source(%dma_start3A_48 : memref<4608x256xf32, #tpu.memory_space<hbm>>) target(%arg7 : memref<128x256xf32, #tpu.memory_space<vmem>>) offsets(%dma_start3A_45 : memref<128xi32, #tpu.memory_space<vmem>>) semaphore(%arg9 : memref<!tpu.dma_semaphore, #tpu.memory_space<semaphore_mem>>)
    %dma_wait3A_49 = arith.constant 2 : i32
    %dma_wait3A_50 = arith.constant 0 : i32
    %dma_wait3A_51 = tpu.memref_slice %arg5[%dma_wait3A_49, %dma_wait3A_50] : memref<4x128xi32, #tpu.memory_space<vmem>> -> memref<1x128xi32, #tpu.memory_space<vmem>>
    %dma_wait3A_52 = tpu.memref_squeeze %dma_wait3A_51 : memref<1x128xi32, #tpu.memory_space<vmem>> -> memref<128xi32, #tpu.memory_space<vmem>>
    %dma_wait3A_53 = arith.constant 0 : i32
    %dma_wait3A_54 = arith.constant 0 : i32
    %dma_wait3A_55 = tpu.memref_slice %arg2[%dma_wait3A_53, %dma_wait3A_54] : memref<4608x256xf32, #tpu.memory_space<hbm>> -> memref<4608x256xf32, #tpu.memory_space<hbm>>
    tpu.wait_indirect_dma semaphore(%arg8 : memref<!tpu.dma_semaphore, #tpu.memory_space<semaphore_mem>>) src(%dma_wait3A_55 : memref<4608x256xf32, #tpu.memory_space<hbm>>) dst(%arg6 : memref<128x256xf32, #tpu.memory_space<vmem>>)
    %add3A_56 = arith.constant 256 : i32
    %add3A_57 = arith.addi %mul3A_4, %add3A_56 : i32
    "tpu.region"() ({
      %run_scoped3A = tpu.sem_alloc : memref<!tpu.dma_semaphore, #tpu.memory_space<semaphore_mem>>
      %dma_start3A_67 = arith.constant 0 : i32
      %dma_start3A_68 = tpu.memref_slice %arg4[%add3A_57, %dma_start3A_67] : memref<16384x256xf32, #tpu.memory_space<hbm>> -> memref<128x256xf32, #tpu.memory_space<hbm>>
      %dma_start3A_69 = arith.constant 0 : i32
      %dma_start3A_70 = tpu.memref_slice %arg4[%add3A_57, %dma_start3A_69] : memref<16384x256xf32, #tpu.memory_space<hbm>> -> memref<128x256xf32, #tpu.memory_space<hbm>>
      tpu.enqueue_dma source(%arg6 : memref<128x256xf32, #tpu.memory_space<vmem>>) target(%dma_start3A_70 : memref<128x256xf32, #tpu.memory_space<hbm>>) target_semaphore(%run_scoped3A : memref<!tpu.dma_semaphore, #tpu.memory_space<semaphore_mem>>)
      %dma_wait3A_71 = arith.constant 0 : i32
      %dma_wait3A_72 = tpu.memref_slice %arg4[%add3A_57, %dma_wait3A_71] : memref<16384x256xf32, #tpu.memory_space<hbm>> -> memref<128x256xf32, #tpu.memory_space<hbm>>
      %dma_wait3A_73 = arith.constant 0 : i32
      %dma_wait3A_74 = tpu.memref_slice %arg4[%add3A_57, %dma_wait3A_73] : memref<16384x256xf32, #tpu.memory_space<hbm>> -> memref<128x256xf32, #tpu.memory_space<hbm>>
      tpu.wait_dma2 semaphore(%run_scoped3A : memref<!tpu.dma_semaphore, #tpu.memory_space<semaphore_mem>>) src(%arg6 : memref<128x256xf32, #tpu.memory_space<vmem>>) dst(%dma_wait3A_74 : memref<128x256xf32, #tpu.memory_space<hbm>>)
      tpu.yield
    }) : () -> ()
    %dma_wait3A_58 = arith.constant 3 : i32
    %dma_wait3A_59 = arith.constant 0 : i32
    %dma_wait3A_60 = tpu.memref_slice %arg5[%dma_wait3A_58, %dma_wait3A_59] : memref<4x128xi32, #tpu.memory_space<vmem>> -> memref<1x128xi32, #tpu.memory_space<vmem>>
    %dma_wait3A_61 = tpu.memref_squeeze %dma_wait3A_60 : memref<1x128xi32, #tpu.memory_space<vmem>> -> memref<128xi32, #tpu.memory_space<vmem>>
    %dma_wait3A_62 = arith.constant 0 : i32
    %dma_wait3A_63 = arith.constant 0 : i32
    %dma_wait3A_64 = tpu.memref_slice %arg2[%dma_wait3A_62, %dma_wait3A_63] : memref<4608x256xf32, #tpu.memory_space<hbm>> -> memref<4608x256xf32, #tpu.memory_space<hbm>>
    tpu.wait_indirect_dma semaphore(%arg9 : memref<!tpu.dma_semaphore, #tpu.memory_space<semaphore_mem>>) src(%dma_wait3A_64 : memref<4608x256xf32, #tpu.memory_space<hbm>>) dst(%arg7 : memref<128x256xf32, #tpu.memory_space<vmem>>)
    %add3A_65 = arith.constant 384 : i32
    %add3A_66 = arith.addi %mul3A_4, %add3A_65 : i32
    "tpu.region"() ({
      %run_scoped3A = tpu.sem_alloc : memref<!tpu.dma_semaphore, #tpu.memory_space<semaphore_mem>>
      %dma_start3A_67 = arith.constant 0 : i32
      %dma_start3A_68 = tpu.memref_slice %arg4[%add3A_66, %dma_start3A_67] : memref<16384x256xf32, #tpu.memory_space<hbm>> -> memref<128x256xf32, #tpu.memory_space<hbm>>
      %dma_start3A_69 = arith.constant 0 : i32
      %dma_start3A_70 = tpu.memref_slice %arg4[%add3A_66, %dma_start3A_69] : memref<16384x256xf32, #tpu.memory_space<hbm>> -> memref<128x256xf32, #tpu.memory_space<hbm>>
      tpu.enqueue_dma source(%arg7 : memref<128x256xf32, #tpu.memory_space<vmem>>) target(%dma_start3A_70 : memref<128x256xf32, #tpu.memory_space<hbm>>) target_semaphore(%run_scoped3A : memref<!tpu.dma_semaphore, #tpu.memory_space<semaphore_mem>>)
      %dma_wait3A_71 = arith.constant 0 : i32
      %dma_wait3A_72 = tpu.memref_slice %arg4[%add3A_66, %dma_wait3A_71] : memref<16384x256xf32, #tpu.memory_space<hbm>> -> memref<128x256xf32, #tpu.memory_space<hbm>>
      %dma_wait3A_73 = arith.constant 0 : i32
      %dma_wait3A_74 = tpu.memref_slice %arg4[%add3A_66, %dma_wait3A_73] : memref<16384x256xf32, #tpu.memory_space<hbm>> -> memref<128x256xf32, #tpu.memory_space<hbm>>
      tpu.wait_dma2 semaphore(%run_scoped3A : memref<!tpu.dma_semaphore, #tpu.memory_space<semaphore_mem>>) src(%arg7 : memref<128x256xf32, #tpu.memory_space<vmem>>) dst(%dma_wait3A_74 : memref<128x256xf32, #tpu.memory_space<hbm>>)
      tpu.yield
    }) : () -> ()
    return
  }
}

module attributes {stable_mosaic.version = 14 : i64} {
  func.func @_tc_body(%arg0: i32, %arg1: memref<1x512x256xf32, #tpu.memory_space<vmem>>, %arg2: memref<1x512x1xf32, #tpu.memory_space<vmem>>, %arg3: memref<512x512xf32, #tpu.memory_space<vmem>>, %arg4: memref<768x768xf32, #tpu.memory_space<vmem>>, %arg5: memref<1x768xf32, #tpu.memory_space<vmem>>, %arg6: memref<1x256xf32, #tpu.memory_space<vmem>>, %arg7: memref<1x256xf32, #tpu.memory_space<vmem>>, %arg8: memref<768x256xf32, #tpu.memory_space<vmem>>, %arg9: memref<1x256xf32, #tpu.memory_space<vmem>>, %arg10: memref<1x256xf32, #tpu.memory_space<vmem>>, %arg11: memref<1x256xf32, #tpu.memory_space<vmem>>, %arg12: memref<256x1xf32, #tpu.memory_space<vmem>>, %arg13: memref<1x1xf32, #tpu.memory_space<vmem>>, %arg14: memref<1x256xf32, #tpu.memory_space<vmem>>, %arg15: memref<1x256xf32, #tpu.memory_space<vmem>>, %arg16: memref<768x256xf32, #tpu.memory_space<vmem>>, %arg17: memref<1x256xf32, #tpu.memory_space<vmem>>, %arg18: memref<1x256xf32, #tpu.memory_space<vmem>>, %arg19: memref<1x256xf32, #tpu.memory_space<vmem>>, %arg20: memref<256x1xf32, #tpu.memory_space<vmem>>, %arg21: memref<1x1xf32, #tpu.memory_space<vmem>>, %arg22: memref<1x256xf32, #tpu.memory_space<vmem>>, %arg23: memref<1x256xf32, #tpu.memory_space<vmem>>, %arg24: memref<768x256xf32, #tpu.memory_space<vmem>>, %arg25: memref<1x256xf32, #tpu.memory_space<vmem>>, %arg26: memref<1x256xf32, #tpu.memory_space<vmem>>, %arg27: memref<1x256xf32, #tpu.memory_space<vmem>>, %arg28: memref<256x1xf32, #tpu.memory_space<vmem>>, %arg29: memref<1x1xf32, #tpu.memory_space<vmem>>, %arg30: memref<256x256xf32, #tpu.memory_space<vmem>>, %arg31: memref<256x256xf32, #tpu.memory_space<vmem>>, %arg32: memref<512x256xf32, #tpu.memory_space<vmem>>, %arg33: memref<1x1x128xi32, #tpu.memory_space<vmem>>, %arg34: memref<1x512x1xf32, #tpu.memory_space<vmem>>, %arg35: memref<1x1x8xi32, #tpu.memory_space<vmem>>) attributes {dimension_semantics = [#tpu.dimension_semantics<arbitrary>], iteration_bounds = array<i64: 9>, scalar_prefetch = 0 : i64, scratch_operands = 0 : i64, tpu.core_type = #tpu.core_type<tc>, window_params = [{transform_indices = @transform_0, window_bounds = array<i64: 1, 512, 256>}, {transform_indices = @transform_1, window_bounds = array<i64: 1, 512, 1>}, {pipeline_mode = #tpu.pipeline_mode<synchronous>, transform_indices = @transform_2, window_bounds = array<i64: 512, 512>}, {pipeline_mode = #tpu.pipeline_mode<synchronous>, transform_indices = @transform_3, window_bounds = array<i64: 768, 768>}, {pipeline_mode = #tpu.pipeline_mode<synchronous>, transform_indices = @transform_4, window_bounds = array<i64: 1, 768>}, {pipeline_mode = #tpu.pipeline_mode<synchronous>, transform_indices = @transform_5, window_bounds = array<i64: 1, 256>}, {pipeline_mode = #tpu.pipeline_mode<synchronous>, transform_indices = @transform_6, window_bounds = array<i64: 1, 256>}, {pipeline_mode = #tpu.pipeline_mode<synchronous>, transform_indices = @transform_7, window_bounds = array<i64: 768, 256>}, {pipeline_mode = #tpu.pipeline_mode<synchronous>, transform_indices = @transform_8, window_bounds = array<i64: 1, 256>}, {pipeline_mode = #tpu.pipeline_mode<synchronous>, transform_indices = @transform_9, window_bounds = array<i64: 1, 256>}, {pipeline_mode = #tpu.pipeline_mode<synchronous>, transform_indices = @transform_10, window_bounds = array<i64: 1, 256>}, {pipeline_mode = #tpu.pipeline_mode<synchronous>, transform_indices = @transform_11, window_bounds = array<i64: 256, 1>}, {pipeline_mode = #tpu.pipeline_mode<synchronous>, transform_indices = @transform_12, window_bounds = array<i64: 1, 1>}, {pipeline_mode = #tpu.pipeline_mode<synchronous>, transform_indices = @transform_13, window_bounds = array<i64: 1, 256>}, {pipeline_mode = #tpu.pipeline_mode<synchronous>, transform_indices = @transform_14, window_bounds = array<i64: 1, 256>}, {pipeline_mode = #tpu.pipeline_mode<synchronous>, transform_indices = @transform_15, window_bounds = array<i64: 768, 256>}, {pipeline_mode = #tpu.pipeline_mode<synchronous>, transform_indices = @transform_16, window_bounds = array<i64: 1, 256>}, {pipeline_mode = #tpu.pipeline_mode<synchronous>, transform_indices = @transform_17, window_bounds = array<i64: 1, 256>}, {pipeline_mode = #tpu.pipeline_mode<synchronous>, transform_indices = @transform_18, window_bounds = array<i64: 1, 256>}, {pipeline_mode = #tpu.pipeline_mode<synchronous>, transform_indices = @transform_19, window_bounds = array<i64: 256, 1>}, {pipeline_mode = #tpu.pipeline_mode<synchronous>, transform_indices = @transform_20, window_bounds = array<i64: 1, 1>}, {pipeline_mode = #tpu.pipeline_mode<synchronous>, transform_indices = @transform_21, window_bounds = array<i64: 1, 256>}, {pipeline_mode = #tpu.pipeline_mode<synchronous>, transform_indices = @transform_22, window_bounds = array<i64: 1, 256>}, {pipeline_mode = #tpu.pipeline_mode<synchronous>, transform_indices = @transform_23, window_bounds = array<i64: 768, 256>}, {pipeline_mode = #tpu.pipeline_mode<synchronous>, transform_indices = @transform_24, window_bounds = array<i64: 1, 256>}, {pipeline_mode = #tpu.pipeline_mode<synchronous>, transform_indices = @transform_25, window_bounds = array<i64: 1, 256>}, {pipeline_mode = #tpu.pipeline_mode<synchronous>, transform_indices = @transform_26, window_bounds = array<i64: 1, 256>}, {pipeline_mode = #tpu.pipeline_mode<synchronous>, transform_indices = @transform_27, window_bounds = array<i64: 256, 1>}, {pipeline_mode = #tpu.pipeline_mode<synchronous>, transform_indices = @transform_28, window_bounds = array<i64: 1, 1>}, {pipeline_mode = #tpu.pipeline_mode<synchronous>, transform_indices = @transform_29, window_bounds = array<i64: 256, 256>}, {pipeline_mode = #tpu.pipeline_mode<synchronous>, transform_indices = @transform_30, window_bounds = array<i64: 256, 256>}, {transform_indices = @transform_31, window_bounds = array<i64: 512, 256>}, {transform_indices = @transform_32, window_bounds = array<i64: 1, 1, 128>}, {transform_indices = @transform_33, window_bounds = array<i64: 1, 512, 1>}, {transform_indices = @transform_34, window_bounds = array<i64: 1, 1, 8>}]} {
    %eq3A = arith.constant 8 : i32
    %eq3A_0 = arith.cmpi eq, %arg0, %eq3A : i32
    %convert_element_type3A = arith.extui %eq3A_0 : i1 to i32
    %cond3A = arith.constant 0 : i32
    %cond3A_1 = arith.cmpi ne, %convert_element_type3A, %cond3A : i32
    scf.if %cond3A_1 {
      %broadcast_in_dim3A = arith.constant 0.000000e+00 : f32
      %broadcast_in_dim3A_6 = vector.broadcast %broadcast_in_dim3A : f32 to vector<512x256xf32>
      %swap3A = arith.constant 0 : index
      %swap3A_7 = arith.constant 0 : index
      %swap3A_8 = vector.load %arg32[%swap3A, %swap3A_7] : memref<512x256xf32, #tpu.memory_space<vmem>>, vector<512x256xf32>
      tpu.vector_store %arg32[%swap3A, %swap3A_7], %broadcast_in_dim3A_6 {strides = array<i32>} : memref<512x256xf32, #tpu.memory_space<vmem>>, vector<512x256xf32>,
      %broadcast_in_dim3A_9 = arith.constant 0 : i32
      %broadcast_in_dim3A_10 = vector.broadcast %broadcast_in_dim3A_9 : i32 to vector<1x1x128xi32>
      %swap3A_11 = arith.constant 0 : index
      %swap3A_12 = arith.constant 0 : index
      %swap3A_13 = arith.constant 0 : index
      %swap3A_14 = vector.load %arg33[%swap3A_11, %swap3A_12, %swap3A_13] : memref<1x1x128xi32, #tpu.memory_space<vmem>>, vector<1x1x128xi32>
      tpu.vector_store %arg33[%swap3A_11, %swap3A_12, %swap3A_13], %broadcast_in_dim3A_10 {strides = array<i32>} : memref<1x1x128xi32, #tpu.memory_space<vmem>>, vector<1x1x128xi32>,
      %broadcast_in_dim3A_15 = arith.constant 0.000000e+00 : f32
      %broadcast_in_dim3A_16 = vector.broadcast %broadcast_in_dim3A_15 : f32 to vector<1x512x1xf32>
      %swap3A_17 = arith.constant 0 : index
      %swap3A_18 = arith.constant 0 : index
      %swap3A_19 = arith.constant 0 : index
      %swap3A_20 = vector.load %arg34[%swap3A_17, %swap3A_18, %swap3A_19] : memref<1x512x1xf32, #tpu.memory_space<vmem>>, vector<1x512x1xf32>
      tpu.vector_store %arg34[%swap3A_17, %swap3A_18, %swap3A_19], %broadcast_in_dim3A_16 {strides = array<i32>} : memref<1x512x1xf32, #tpu.memory_space<vmem>>, vector<1x512x1xf32>,
      %broadcast_in_dim3A_21 = arith.constant 0 : i32
      %broadcast_in_dim3A_22 = vector.broadcast %broadcast_in_dim3A_21 : i32 to vector<1x1x8xi32>
      %swap3A_23 = arith.constant 0 : index
      %swap3A_24 = arith.constant 0 : index
      %swap3A_25 = arith.constant 0 : index
      %swap3A_26 = vector.load %arg35[%swap3A_23, %swap3A_24, %swap3A_25] : memref<1x1x8xi32, #tpu.memory_space<vmem>>, vector<1x1x8xi32>
      tpu.vector_store %arg35[%swap3A_23, %swap3A_24, %swap3A_25], %broadcast_in_dim3A_22 {strides = array<i32>} : memref<1x1x8xi32, #tpu.memory_space<vmem>>, vector<1x1x8xi32>,
    } else {
    }
    %lt3A = arith.constant 8 : i32
    %lt3A_2 = arith.cmpi slt, %arg0, %lt3A : i32
    %convert_element_type3A_3 = arith.extui %lt3A_2 : i1 to i32
    %cond3A_4 = arith.constant 0 : i32
    %cond3A_5 = arith.cmpi ne, %convert_element_type3A_3, %cond3A_4 : i32
    scf.if %cond3A_5 {
      %get3A = arith.constant 0 : index
      %get3A_6 = arith.constant 0 : index
      %get3A_7 = arith.constant 0 : index
      %get3A_8 = vector.load %arg1[%get3A, %get3A_6, %get3A_7] : memref<1x512x256xf32, #tpu.memory_space<vmem>>, vector<1x512x256xf32>
      %get3A_9 = vector.shape_cast %get3A_8 : vector<1x512x256xf32> to vector<512x256xf32>
      %get3A_10 = arith.constant 0 : index
      %get3A_11 = arith.constant 0 : index
      %get3A_12 = arith.constant 0 : index
      %get3A_13 = vector.load %arg2[%get3A_10, %get3A_11, %get3A_12] : memref<1x512x1xf32, #tpu.memory_space<vmem>>, vector<1x512x1xf32>
      %get3A_14 = vector.shape_cast %get3A_13 : vector<1x512x1xf32> to vector<512x1xf32>
      %broadcast_in_dim3A = arith.constant 0.000000e+00 : f32
      %broadcast_in_dim3A_15 = vector.broadcast %broadcast_in_dim3A : f32 to vector<1x256xf32>
      %slice3A = vector.extract_strided_slice %get3A_9 {offsets = [0, 0], sizes = [511, 256], strides = [1, 1]} : vector<512x256xf32> to vector<511x256xf32>
      %concatenate3A = tpu.concatenate %broadcast_in_dim3A_15, %slice3A in 0 : vector<1x256xf32>, vector<511x256xf32> -> vector<512x256xf32>
      %slice3A_16 = vector.extract_strided_slice %get3A_9 {offsets = [1, 0], sizes = [511, 256], strides = [1, 1]} : vector<512x256xf32> to vector<511x256xf32>
      %concatenate3A_17 = tpu.concatenate %slice3A_16, %broadcast_in_dim3A_15 in 0 : vector<511x256xf32>, vector<1x256xf32> -> vector<512x256xf32>
      %concatenate3A_18 = tpu.concatenate %concatenate3A, %get3A_9, %concatenate3A_17 in 1 : vector<512x256xf32>, vector<512x256xf32>, vector<512x256xf32> -> vector<512x768xf32>
      %get3A_19 = arith.constant 0 : index
      %get3A_20 = arith.constant 0 : index
      %get3A_21 = vector.load %arg4[%get3A_19, %get3A_20] : memref<768x768xf32, #tpu.memory_space<vmem>>, vector<768x768xf32>
      %dot_general3A = arith.constant dense<0.000000e+00> : vector<512x768xf32>
      %dot_general3A_22 = tpu.matmul %concatenate3A_18, %get3A_21, %dot_general3A {dimension_numbers = #tpu.dot_dimension_numbers<[1], [0], [0], [1], [0, 0, 1, 1], [], []>, transpose_lhs_hint = false} : vector<512x768xf32>, vector<768x768xf32>, vector<512x768xf32> -> vector<512x768xf32>
      %get3A_23 = arith.constant 0 : index
      %get3A_24 = arith.constant 0 : index
      %get3A_25 = vector.load %arg5[%get3A_23, %get3A_24] : memref<1x768xf32, #tpu.memory_space<vmem>>, vector<1x768xf32>
      %add3A = vector.broadcast %get3A_25 : vector<1x768xf32> to vector<512x768xf32>
      %add3A_26 = arith.addf %dot_general3A_22, %add3A : vector<512x768xf32>
      %max3A = arith.constant 0.000000e+00 : f32
      %max3A_27 = vector.broadcast %max3A : f32 to vector<512x768xf32>
      %max3A_28 = arith.maximumf %add3A_26, %max3A_27 : vector<512x768xf32>
      %slice3A_29 = vector.extract_strided_slice %max3A_28 {offsets = [0, 0], sizes = [512, 256], strides = [1, 1]} : vector<512x768xf32> to vector<512x256xf32>
      %reduce_sum3A = arith.constant dense<0.000000e+00> : vector<512xf32>
      %reduce_sum3A_30 = vector.multi_reduction <add>, %slice3A_29, %reduce_sum3A [1] : vector<512x256xf32> to vector<512xf32>
      %broadcast_in_dim3A_31 = vector.shape_cast %reduce_sum3A_30 : vector<512xf32> to vector<512x1xf32>
      %div3A = arith.constant 2.560000e+02 : f32
      %div3A_32 = vector.broadcast %div3A : f32 to vector<512x1xf32>
      %div3A_33 = arith.divf %broadcast_in_dim3A_31, %div3A_32 : vector<512x1xf32>
      %sub3A = vector.broadcast %div3A_33 : vector<512x1xf32> to vector<512x256xf32>
      %sub3A_34 = arith.subf %slice3A_29, %sub3A : vector<512x256xf32>
      %integer_pow3A = arith.mulf %sub3A_34, %sub3A_34 : vector<512x256xf32>
      %reduce_sum3A_35 = arith.constant dense<0.000000e+00> : vector<512xf32>
      %reduce_sum3A_36 = vector.multi_reduction <add>, %integer_pow3A, %reduce_sum3A_35 [1] : vector<512x256xf32> to vector<512xf32>
      %broadcast_in_dim3A_37 = vector.shape_cast %reduce_sum3A_36 : vector<512xf32> to vector<512x1xf32>
      %div3A_38 = arith.constant 2.560000e+02 : f32
      %div3A_39 = vector.broadcast %div3A_38 : f32 to vector<512x1xf32>
      %div3A_40 = arith.divf %broadcast_in_dim3A_37, %div3A_39 : vector<512x1xf32>
      %sub3A_41 = vector.broadcast %div3A_33 : vector<512x1xf32> to vector<512x256xf32>
      %sub3A_42 = arith.subf %slice3A_29, %sub3A_41 : vector<512x256xf32>
      %add3A_43 = arith.constant 9.99999974E-6 : f32
      %add3A_44 = vector.broadcast %add3A_43 : f32 to vector<512x1xf32>
      %add3A_45 = arith.addf %div3A_40, %add3A_44 : vector<512x1xf32>
      %sqrt3A = math.sqrt %add3A_45 : vector<512x1xf32>
      %div3A_46 = vector.broadcast %sqrt3A : vector<512x1xf32> to vector<512x256xf32>
      %div3A_47 = arith.divf %sub3A_42, %div3A_46 : vector<512x256xf32>
      %get3A_48 = arith.constant 0 : index
      %get3A_49 = arith.constant 0 : index
      %get3A_50 = vector.load %arg6[%get3A_48, %get3A_49] : memref<1x256xf32, #tpu.memory_space<vmem>>, vector<1x256xf32>
      %mul3A = vector.broadcast %get3A_50 : vector<1x256xf32> to vector<512x256xf32>
      %mul3A_51 = arith.mulf %div3A_47, %mul3A : vector<512x256xf32>
      %get3A_52 = arith.constant 0 : index
      %get3A_53 = arith.constant 0 : index
      %get3A_54 = vector.load %arg7[%get3A_52, %get3A_53] : memref<1x256xf32, #tpu.memory_space<vmem>>, vector<1x256xf32>
      %add3A_55 = vector.broadcast %get3A_54 : vector<1x256xf32> to vector<512x256xf32>
      %add3A_56 = arith.addf %mul3A_51, %add3A_55 : vector<512x256xf32>
      %slice3A_57 = vector.extract_strided_slice %add3A_56 {offsets = [0, 0], sizes = [511, 256], strides = [1, 1]} : vector<512x256xf32> to vector<511x256xf32>
      %concatenate3A_58 = tpu.concatenate %broadcast_in_dim3A_15, %slice3A_57 in 0 : vector<1x256xf32>, vector<511x256xf32> -> vector<512x256xf32>
      %slice3A_59 = vector.extract_strided_slice %add3A_56 {offsets = [1, 0], sizes = [511, 256], strides = [1, 1]} : vector<512x256xf32> to vector<511x256xf32>
      %concatenate3A_60 = tpu.concatenate %slice3A_59, %broadcast_in_dim3A_15 in 0 : vector<511x256xf32>, vector<1x256xf32> -> vector<512x256xf32>
      %concatenate3A_61 = tpu.concatenate %concatenate3A_58, %add3A_56, %concatenate3A_60 in 1 : vector<512x256xf32>, vector<512x256xf32>, vector<512x256xf32> -> vector<512x768xf32>
      %get3A_62 = arith.constant 0 : index
      %get3A_63 = arith.constant 0 : index
      %get3A_64 = vector.load %arg8[%get3A_62, %get3A_63] : memref<768x256xf32, #tpu.memory_space<vmem>>, vector<768x256xf32>
      %dot_general3A_65 = arith.constant dense<0.000000e+00> : vector<512x256xf32>
      %dot_general3A_66 = tpu.matmul %concatenate3A_61, %get3A_64, %dot_general3A_65 {dimension_numbers = #tpu.dot_dimension_numbers<[1], [0], [0], [1], [0, 0, 1, 1], [], []>, transpose_lhs_hint = false} : vector<512x768xf32>, vector<768x256xf32>, vector<512x256xf32> -> vector<512x256xf32>
      %get3A_67 = arith.constant 0 : index
      %get3A_68 = arith.constant 0 : index
      %get3A_69 = vector.load %arg9[%get3A_67, %get3A_68] : memref<1x256xf32, #tpu.memory_space<vmem>>, vector<1x256xf32>
      %add3A_70 = vector.broadcast %get3A_69 : vector<1x256xf32> to vector<512x256xf32>
      %add3A_71 = arith.addf %dot_general3A_66, %add3A_70 : vector<512x256xf32>
      %max3A_72 = arith.constant 0.000000e+00 : f32
      %max3A_73 = vector.broadcast %max3A_72 : f32 to vector<512x256xf32>
      %max3A_74 = arith.maximumf %add3A_71, %max3A_73 : vector<512x256xf32>
      %reduce_sum3A_75 = arith.constant dense<0.000000e+00> : vector<512xf32>
      %reduce_sum3A_76 = vector.multi_reduction <add>, %max3A_74, %reduce_sum3A_75 [1] : vector<512x256xf32> to vector<512xf32>
      %broadcast_in_dim3A_77 = vector.shape_cast %reduce_sum3A_76 : vector<512xf32> to vector<512x1xf32>
      %div3A_78 = arith.constant 2.560000e+02 : f32
      %div3A_79 = vector.broadcast %div3A_78 : f32 to vector<512x1xf32>
      %div3A_80 = arith.divf %broadcast_in_dim3A_77, %div3A_79 : vector<512x1xf32>
      %sub3A_81 = vector.broadcast %div3A_80 : vector<512x1xf32> to vector<512x256xf32>
      %sub3A_82 = arith.subf %max3A_74, %sub3A_81 : vector<512x256xf32>
      %integer_pow3A_83 = arith.mulf %sub3A_82, %sub3A_82 : vector<512x256xf32>
      %reduce_sum3A_84 = arith.constant dense<0.000000e+00> : vector<512xf32>
      %reduce_sum3A_85 = vector.multi_reduction <add>, %integer_pow3A_83, %reduce_sum3A_84 [1] : vector<512x256xf32> to vector<512xf32>
      %broadcast_in_dim3A_86 = vector.shape_cast %reduce_sum3A_85 : vector<512xf32> to vector<512x1xf32>
      %div3A_87 = arith.constant 2.560000e+02 : f32
      %div3A_88 = vector.broadcast %div3A_87 : f32 to vector<512x1xf32>
      %div3A_89 = arith.divf %broadcast_in_dim3A_86, %div3A_88 : vector<512x1xf32>
      %sub3A_90 = vector.broadcast %div3A_80 : vector<512x1xf32> to vector<512x256xf32>
      %sub3A_91 = arith.subf %max3A_74, %sub3A_90 : vector<512x256xf32>
      %add3A_92 = arith.constant 9.99999974E-6 : f32
      %add3A_93 = vector.broadcast %add3A_92 : f32 to vector<512x1xf32>
      %add3A_94 = arith.addf %div3A_89, %add3A_93 : vector<512x1xf32>
      %sqrt3A_95 = math.sqrt %add3A_94 : vector<512x1xf32>
      %div3A_96 = vector.broadcast %sqrt3A_95 : vector<512x1xf32> to vector<512x256xf32>
      %div3A_97 = arith.divf %sub3A_91, %div3A_96 : vector<512x256xf32>
      %get3A_98 = arith.constant 0 : index
      %get3A_99 = arith.constant 0 : index
      %get3A_100 = vector.load %arg10[%get3A_98, %get3A_99] : memref<1x256xf32, #tpu.memory_space<vmem>>, vector<1x256xf32>
      %mul3A_101 = vector.broadcast %get3A_100 : vector<1x256xf32> to vector<512x256xf32>
      %mul3A_102 = arith.mulf %div3A_97, %mul3A_101 : vector<512x256xf32>
      %get3A_103 = arith.constant 0 : index
      %get3A_104 = arith.constant 0 : index
      %get3A_105 = vector.load %arg11[%get3A_103, %get3A_104] : memref<1x256xf32, #tpu.memory_space<vmem>>, vector<1x256xf32>
      %add3A_106 = vector.broadcast %get3A_105 : vector<1x256xf32> to vector<512x256xf32>
      %add3A_107 = arith.addf %mul3A_102, %add3A_106 : vector<512x256xf32>
      %get3A_108 = arith.constant 0 : index
      %get3A_109 = arith.constant 0 : index
      %get3A_110 = vector.load %arg12[%get3A_108, %get3A_109] : memref<256x1xf32, #tpu.memory_space<vmem>>, vector<256x1xf32>
      %dot_general3A_111 = arith.constant dense<0.000000e+00> : vector<512x1xf32>
      %dot_general3A_112 = tpu.matmul %add3A_107, %get3A_110, %dot_general3A_111 {dimension_numbers = #tpu.dot_dimension_numbers<[1], [0], [0], [1], [0, 0, 1, 1], [], []>, transpose_lhs_hint = false} : vector<512x256xf32>, vector<256x1xf32>, vector<512x1xf32> -> vector<512x1xf32>
      %get3A_113 = arith.constant 0 : index
      %get3A_114 = arith.constant 0 : index
      %get3A_115 = vector.load %arg13[%get3A_113, %get3A_114] : memref<1x1xf32, #tpu.memory_space<vmem>>, vector<1x1xf32>
      %add3A_116 = vector.broadcast %get3A_115 : vector<1x1xf32> to vector<512x1xf32>
      %add3A_117 = arith.addf %dot_general3A_112, %add3A_116 : vector<512x1xf32>
      %eq3A_118 = arith.constant 0.000000e+00 : f32
      %eq3A_119 = vector.broadcast %eq3A_118 : f32 to vector<512x1xf32>
      %eq3A_120 = arith.cmpf oeq, %get3A_14, %eq3A_119 : vector<512x1xf32>
      %jit3A = arith.constant 0.000000e+00 : f32
      %broadcast_in_dim3A_121 = vector.broadcast %jit3A : f32 to vector<512x1xf32>
      %select_n3A = arith.select %eq3A_120, %broadcast_in_dim3A_121, %add3A_117 : vector<512x1xi1>, vector<512x1xf32>
      %exp3A = math.exp %select_n3A : vector<512x1xf32>
      %sub3A_122 = arith.constant 1.000000e+00 : f32
      %sub3A_123 = vector.broadcast %sub3A_122 : f32 to vector<512x1xf32>
      %sub3A_124 = arith.subf %exp3A, %sub3A_123 : vector<512x1xf32>
      %round3A = math.roundeven %sub3A_124 : vector<512x1xf32>
      %ne3A = arith.cmpf one, %round3A, %round3A : vector<512x1xf32>
      %jit3A_125 = arith.constant 0.000000e+00 : f32
      %broadcast_in_dim3A_126 = vector.broadcast %jit3A_125 : f32 to vector<512x1xf32>
      %select_n3A_127 = arith.select %ne3A, %broadcast_in_dim3A_126, %round3A : vector<512x1xi1>, vector<512x1xf32>
      %jit3A_128 = arith.constant 0.000000e+00 : f32
      %jit3A_129 = arith.constant 3.000000e+02 : f32
      %max3A_130 = vector.broadcast %jit3A_128 : f32 to vector<512x1xf32>
      %max3A_131 = arith.maximumf %max3A_130, %select_n3A_127 : vector<512x1xf32>
      %min3A = vector.broadcast %jit3A_129 : f32 to vector<512x1xf32>
      %min3A_132 = arith.minimumf %min3A, %max3A_131 : vector<512x1xf32>
      %get3A_133 = arith.constant 0 : index
      %get3A_134 = arith.constant 0 : index
      %get3A_135 = vector.load %arg3[%get3A_133, %get3A_134] : memref<512x512xf32, #tpu.memory_space<vmem>>, vector<512x512xf32>
      %dot_general3A_136 = arith.constant dense<0.000000e+00> : vector<512x1xf32>
      %dot_general3A_137 = tpu.matmul %get3A_135, %min3A_132, %dot_general3A_136 {dimension_numbers = #tpu.dot_dimension_numbers<[1], [0], [0], [1], [0, 0, 1, 1], [], []>, transpose_lhs_hint = false} : vector<512x512xf32>, vector<512x1xf32>, vector<512x1xf32> -> vector<512x1xf32>
      %reshape3A = vector.shape_cast %dot_general3A_137 : vector<512x1xf32> to vector<1x512x1xf32>
      %swap3A = arith.constant 0 : index
      %swap3A_138 = arith.constant 0 : index
      %swap3A_139 = arith.constant 0 : index
      %swap3A_140 = vector.load %arg34[%swap3A, %swap3A_138, %swap3A_139] : memref<1x512x1xf32, #tpu.memory_space<vmem>>, vector<1x512x1xf32>
      tpu.vector_store %arg34[%swap3A, %swap3A_138, %swap3A_139], %reshape3A {strides = array<i32>} : memref<1x512x1xf32, #tpu.memory_space<vmem>>, vector<1x512x1xf32>,
      %iota3A = tpu.iota {dimensions = array<i32: 1>} : vector<1x128xi32>
      %convert_element_type3A_141 = arith.sitofp %iota3A : vector<1x128xi32> to vector<1x128xf32>
      %le3A = vector.broadcast %dot_general3A_137 : vector<512x1xf32> to vector<512x128xf32>
      %le3A_142 = vector.broadcast %convert_element_type3A_141 : vector<1x128xf32> to vector<512x128xf32>
      %le3A_143 = arith.cmpf ole, %le3A, %le3A_142 : vector<512x128xf32>
      %convert_element_type3A_144 = arith.extui %le3A_143 : vector<512x128xi1> to vector<512x128xi32>
      %convert_element_type3A_145 = arith.sitofp %convert_element_type3A_144 : vector<512x128xi32> to vector<512x128xf32>
      %reduce_sum3A_146 = arith.constant dense<0.000000e+00> : vector<128xf32>
      %reduce_sum3A_147 = vector.multi_reduction <add>, %convert_element_type3A_145, %reduce_sum3A_146 [0] : vector<512x128xf32> to vector<128xf32>
      %broadcast_in_dim3A_148 = vector.shape_cast %reduce_sum3A_147 : vector<128xf32> to vector<1x128xf32>
      %convert_element_type3A_149 = arith.fptosi %broadcast_in_dim3A_148 : vector<1x128xf32> to vector<1x128xi32>
      %ge3A = arith.constant 512 : i32
      %ge3A_150 = vector.broadcast %ge3A : i32 to vector<1x128xi32>
      %ge3A_151 = arith.cmpi sge, %convert_element_type3A_149, %ge3A_150 : vector<1x128xi32>
      %mul3A_152 = arith.constant 512 : i32
      %mul3A_153 = arith.muli %arg0, %mul3A_152 : i32
      %add3A_154 = vector.broadcast %mul3A_153 : i32 to vector<1x128xi32>
      %add3A_155 = arith.addi %convert_element_type3A_149, %add3A_154 : vector<1x128xi32>
      %jit3A_156 = arith.constant 4096 : i32
      %broadcast_in_dim3A_157 = vector.broadcast %jit3A_156 : i32 to vector<1x128xi32>
      %select_n3A_158 = arith.select %ge3A_151, %broadcast_in_dim3A_157, %add3A_155 : vector<1x128xi1>, vector<1x128xi32>
      %reshape3A_159 = vector.shape_cast %select_n3A_158 : vector<1x128xi32> to vector<1x1x128xi32>
      %swap3A_160 = arith.constant 0 : index
      %swap3A_161 = arith.constant 0 : index
      %swap3A_162 = arith.constant 0 : index
      %swap3A_163 = vector.load %arg33[%swap3A_160, %swap3A_161, %swap3A_162] : memref<1x1x128xi32, #tpu.memory_space<vmem>>, vector<1x1x128xi32>
      tpu.vector_store %arg33[%swap3A_160, %swap3A_161, %swap3A_162], %reshape3A_159 {strides = array<i32>} : memref<1x1x128xi32, #tpu.memory_space<vmem>>, vector<1x1x128xi32>,
      %reduce_max3A = vector.shape_cast %dot_general3A_137 : vector<512x1xf32> to vector<1x512x1xf32>
      %reduce_max3A_164 = arith.constant dense<0xFF800000> : vector<1xf32>
      %reduce_max3A_165 = vector.multi_reduction <maximumf>, %reduce_max3A, %reduce_max3A_164 [1, 2] : vector<1x512x1xf32> to vector<1xf32>
      %reduce_max3A_166 = vector.shape_cast %reduce_max3A_165 : vector<1xf32> to vector<1x1x1xf32>
      %reduce_max3A_167 = vector.extract %reduce_max3A_166[0, 0, 0] : f32 from vector<1x1x1xf32>
      %convert_element_type3A_168 = arith.fptosi %reduce_max3A_167 : f32 to i32
      %broadcast_in_dim3A_169 = vector.broadcast %convert_element_type3A_168 : i32 to vector<1x1x8xi32>
      %swap3A_170 = arith.constant 0 : index
      %swap3A_171 = arith.constant 0 : index
      %swap3A_172 = arith.constant 0 : index
      %swap3A_173 = vector.load %arg35[%swap3A_170, %swap3A_171, %swap3A_172] : memref<1x1x8xi32, #tpu.memory_space<vmem>>, vector<1x1x8xi32>
      tpu.vector_store %arg35[%swap3A_170, %swap3A_171, %swap3A_172], %broadcast_in_dim3A_169 {strides = array<i32>} : memref<1x1x8xi32, #tpu.memory_space<vmem>>, vector<1x1x8xi32>,
      %iota3A_174 = tpu.iota {dimensions = array<i32: 1>} : vector<512x256xi32>
      %convert_element_type3A_175 = arith.sitofp %iota3A_174 : vector<512x256xi32> to vector<512x256xf32>
      %slice3A_176 = vector.extract_strided_slice %max3A_28 {offsets = [0, 256], sizes = [512, 256], strides = [1, 1]} : vector<512x768xf32> to vector<512x256xf32>
      %reduce_sum3A_177 = arith.constant dense<0.000000e+00> : vector<512xf32>
      %reduce_sum3A_178 = vector.multi_reduction <add>, %slice3A_176, %reduce_sum3A_177 [1] : vector<512x256xf32> to vector<512xf32>
      %broadcast_in_dim3A_179 = vector.shape_cast %reduce_sum3A_178 : vector<512xf32> to vector<512x1xf32>
      %div3A_180 = arith.constant 2.560000e+02 : f32
      %div3A_181 = vector.broadcast %div3A_180 : f32 to vector<512x1xf32>
      %div3A_182 = arith.divf %broadcast_in_dim3A_179, %div3A_181 : vector<512x1xf32>
      %sub3A_183 = vector.broadcast %div3A_182 : vector<512x1xf32> to vector<512x256xf32>
      %sub3A_184 = arith.subf %slice3A_176, %sub3A_183 : vector<512x256xf32>
      %integer_pow3A_185 = arith.mulf %sub3A_184, %sub3A_184 : vector<512x256xf32>
      %reduce_sum3A_186 = arith.constant dense<0.000000e+00> : vector<512xf32>
      %reduce_sum3A_187 = vector.multi_reduction <add>, %integer_pow3A_185, %reduce_sum3A_186 [1] : vector<512x256xf32> to vector<512xf32>
      %broadcast_in_dim3A_188 = vector.shape_cast %reduce_sum3A_187 : vector<512xf32> to vector<512x1xf32>
      %div3A_189 = arith.constant 2.560000e+02 : f32
      %div3A_190 = vector.broadcast %div3A_189 : f32 to vector<512x1xf32>
      %div3A_191 = arith.divf %broadcast_in_dim3A_188, %div3A_190 : vector<512x1xf32>
      %sub3A_192 = vector.broadcast %div3A_182 : vector<512x1xf32> to vector<512x256xf32>
      %sub3A_193 = arith.subf %slice3A_176, %sub3A_192 : vector<512x256xf32>
      %add3A_194 = arith.constant 9.99999974E-6 : f32
      %add3A_195 = vector.broadcast %add3A_194 : f32 to vector<512x1xf32>
      %add3A_196 = arith.addf %div3A_191, %add3A_195 : vector<512x1xf32>
      %sqrt3A_197 = math.sqrt %add3A_196 : vector<512x1xf32>
      %div3A_198 = vector.broadcast %sqrt3A_197 : vector<512x1xf32> to vector<512x256xf32>
      %div3A_199 = arith.divf %sub3A_193, %div3A_198 : vector<512x256xf32>
      %get3A_200 = arith.constant 0 : index
      %get3A_201 = arith.constant 0 : index
      %get3A_202 = vector.load %arg14[%get3A_200, %get3A_201] : memref<1x256xf32, #tpu.memory_space<vmem>>, vector<1x256xf32>
      %mul3A_203 = vector.broadcast %get3A_202 : vector<1x256xf32> to vector<512x256xf32>
      %mul3A_204 = arith.mulf %div3A_199, %mul3A_203 : vector<512x256xf32>
      %get3A_205 = arith.constant 0 : index
      %get3A_206 = arith.constant 0 : index
      %get3A_207 = vector.load %arg15[%get3A_205, %get3A_206] : memref<1x256xf32, #tpu.memory_space<vmem>>, vector<1x256xf32>
      %add3A_208 = vector.broadcast %get3A_207 : vector<1x256xf32> to vector<512x256xf32>
      %add3A_209 = arith.addf %mul3A_204, %add3A_208 : vector<512x256xf32>
      %slice3A_210 = vector.extract_strided_slice %add3A_209 {offsets = [0, 0], sizes = [511, 256], strides = [1, 1]} : vector<512x256xf32> to vector<511x256xf32>
      %concatenate3A_211 = tpu.concatenate %broadcast_in_dim3A_15, %slice3A_210 in 0 : vector<1x256xf32>, vector<511x256xf32> -> vector<512x256xf32>
      %slice3A_212 = vector.extract_strided_slice %add3A_209 {offsets = [1, 0], sizes = [511, 256], strides = [1, 1]} : vector<512x256xf32> to vector<511x256xf32>
      %concatenate3A_213 = tpu.concatenate %slice3A_212, %broadcast_in_dim3A_15 in 0 : vector<511x256xf32>, vector<1x256xf32> -> vector<512x256xf32>
      %concatenate3A_214 = tpu.concatenate %concatenate3A_211, %add3A_209, %concatenate3A_213 in 1 : vector<512x256xf32>, vector<512x256xf32>, vector<512x256xf32> -> vector<512x768xf32>
      %get3A_215 = arith.constant 0 : index
      %get3A_216 = arith.constant 0 : index
      %get3A_217 = vector.load %arg16[%get3A_215, %get3A_216] : memref<768x256xf32, #tpu.memory_space<vmem>>, vector<768x256xf32>
      %dot_general3A_218 = arith.constant dense<0.000000e+00> : vector<512x256xf32>
      %dot_general3A_219 = tpu.matmul %concatenate3A_214, %get3A_217, %dot_general3A_218 {dimension_numbers = #tpu.dot_dimension_numbers<[1], [0], [0], [1], [0, 0, 1, 1], [], []>, transpose_lhs_hint = false} : vector<512x768xf32>, vector<768x256xf32>, vector<512x256xf32> -> vector<512x256xf32>
      %get3A_220 = arith.constant 0 : index
      %get3A_221 = arith.constant 0 : index
      %get3A_222 = vector.load %arg17[%get3A_220, %get3A_221] : memref<1x256xf32, #tpu.memory_space<vmem>>, vector<1x256xf32>
      %add3A_223 = vector.broadcast %get3A_222 : vector<1x256xf32> to vector<512x256xf32>
      %add3A_224 = arith.addf %dot_general3A_219, %add3A_223 : vector<512x256xf32>
      %max3A_225 = arith.constant 0.000000e+00 : f32
      %max3A_226 = vector.broadcast %max3A_225 : f32 to vector<512x256xf32>
      %max3A_227 = arith.maximumf %add3A_224, %max3A_226 : vector<512x256xf32>
      %reduce_sum3A_228 = arith.constant dense<0.000000e+00> : vector<512xf32>
      %reduce_sum3A_229 = vector.multi_reduction <add>, %max3A_227, %reduce_sum3A_228 [1] : vector<512x256xf32> to vector<512xf32>
      %broadcast_in_dim3A_230 = vector.shape_cast %reduce_sum3A_229 : vector<512xf32> to vector<512x1xf32>
      %div3A_231 = arith.constant 2.560000e+02 : f32
      %div3A_232 = vector.broadcast %div3A_231 : f32 to vector<512x1xf32>
      %div3A_233 = arith.divf %broadcast_in_dim3A_230, %div3A_232 : vector<512x1xf32>
      %sub3A_234 = vector.broadcast %div3A_233 : vector<512x1xf32> to vector<512x256xf32>
      %sub3A_235 = arith.subf %max3A_227, %sub3A_234 : vector<512x256xf32>
      %integer_pow3A_236 = arith.mulf %sub3A_235, %sub3A_235 : vector<512x256xf32>
      %reduce_sum3A_237 = arith.constant dense<0.000000e+00> : vector<512xf32>
      %reduce_sum3A_238 = vector.multi_reduction <add>, %integer_pow3A_236, %reduce_sum3A_237 [1] : vector<512x256xf32> to vector<512xf32>
      %broadcast_in_dim3A_239 = vector.shape_cast %reduce_sum3A_238 : vector<512xf32> to vector<512x1xf32>
      %div3A_240 = arith.constant 2.560000e+02 : f32
      %div3A_241 = vector.broadcast %div3A_240 : f32 to vector<512x1xf32>
      %div3A_242 = arith.divf %broadcast_in_dim3A_239, %div3A_241 : vector<512x1xf32>
      %sub3A_243 = vector.broadcast %div3A_233 : vector<512x1xf32> to vector<512x256xf32>
      %sub3A_244 = arith.subf %max3A_227, %sub3A_243 : vector<512x256xf32>
      %add3A_245 = arith.constant 9.99999974E-6 : f32
      %add3A_246 = vector.broadcast %add3A_245 : f32 to vector<512x1xf32>
      %add3A_247 = arith.addf %div3A_242, %add3A_246 : vector<512x1xf32>
      %sqrt3A_248 = math.sqrt %add3A_247 : vector<512x1xf32>
      %div3A_249 = vector.broadcast %sqrt3A_248 : vector<512x1xf32> to vector<512x256xf32>
      %div3A_250 = arith.divf %sub3A_244, %div3A_249 : vector<512x256xf32>
      %get3A_251 = arith.constant 0 : index
      %get3A_252 = arith.constant 0 : index
      %get3A_253 = vector.load %arg18[%get3A_251, %get3A_252] : memref<1x256xf32, #tpu.memory_space<vmem>>, vector<1x256xf32>
      %mul3A_254 = vector.broadcast %get3A_253 : vector<1x256xf32> to vector<512x256xf32>
      %mul3A_255 = arith.mulf %div3A_250, %mul3A_254 : vector<512x256xf32>
      %get3A_256 = arith.constant 0 : index
      %get3A_257 = arith.constant 0 : index
      %get3A_258 = vector.load %arg19[%get3A_256, %get3A_257] : memref<1x256xf32, #tpu.memory_space<vmem>>, vector<1x256xf32>
      %add3A_259 = vector.broadcast %get3A_258 : vector<1x256xf32> to vector<512x256xf32>
      %add3A_260 = arith.addf %mul3A_255, %add3A_259 : vector<512x256xf32>
      %get3A_261 = arith.constant 0 : index
      %get3A_262 = arith.constant 0 : index
      %get3A_263 = vector.load %arg20[%get3A_261, %get3A_262] : memref<256x1xf32, #tpu.memory_space<vmem>>, vector<256x1xf32>
      %dot_general3A_264 = arith.constant dense<0.000000e+00> : vector<512x1xf32>
      %dot_general3A_265 = tpu.matmul %add3A_260, %get3A_263, %dot_general3A_264 {dimension_numbers = #tpu.dot_dimension_numbers<[1], [0], [0], [1], [0, 0, 1, 1], [], []>, transpose_lhs_hint = false} : vector<512x256xf32>, vector<256x1xf32>, vector<512x1xf32> -> vector<512x1xf32>
      %get3A_266 = arith.constant 0 : index
      %get3A_267 = arith.constant 0 : index
      %get3A_268 = vector.load %arg21[%get3A_266, %get3A_267] : memref<1x1xf32, #tpu.memory_space<vmem>>, vector<1x1xf32>
      %add3A_269 = vector.broadcast %get3A_268 : vector<1x1xf32> to vector<512x1xf32>
      %add3A_270 = arith.addf %dot_general3A_265, %add3A_269 : vector<512x1xf32>
      %eq3A_271 = arith.constant 0.000000e+00 : f32
      %eq3A_272 = vector.broadcast %eq3A_271 : f32 to vector<512x1xf32>
      %eq3A_273 = arith.cmpf oeq, %get3A_14, %eq3A_272 : vector<512x1xf32>
      %jit3A_274 = arith.constant 0.000000e+00 : f32
      %broadcast_in_dim3A_275 = vector.broadcast %jit3A_274 : f32 to vector<512x1xf32>
      %select_n3A_276 = arith.select %eq3A_273, %broadcast_in_dim3A_275, %add3A_270 : vector<512x1xi1>, vector<512x1xf32>
      %slice3A_277 = vector.extract_strided_slice %max3A_28 {offsets = [0, 512], sizes = [512, 256], strides = [1, 1]} : vector<512x768xf32> to vector<512x256xf32>
      %reduce_sum3A_278 = arith.constant dense<0.000000e+00> : vector<512xf32>
      %reduce_sum3A_279 = vector.multi_reduction <add>, %slice3A_277, %reduce_sum3A_278 [1] : vector<512x256xf32> to vector<512xf32>
      %broadcast_in_dim3A_280 = vector.shape_cast %reduce_sum3A_279 : vector<512xf32> to vector<512x1xf32>
      %div3A_281 = arith.constant 2.560000e+02 : f32
      %div3A_282 = vector.broadcast %div3A_281 : f32 to vector<512x1xf32>
      %div3A_283 = arith.divf %broadcast_in_dim3A_280, %div3A_282 : vector<512x1xf32>
      %sub3A_284 = vector.broadcast %div3A_283 : vector<512x1xf32> to vector<512x256xf32>
      %sub3A_285 = arith.subf %slice3A_277, %sub3A_284 : vector<512x256xf32>
      %integer_pow3A_286 = arith.mulf %sub3A_285, %sub3A_285 : vector<512x256xf32>
      %reduce_sum3A_287 = arith.constant dense<0.000000e+00> : vector<512xf32>
      %reduce_sum3A_288 = vector.multi_reduction <add>, %integer_pow3A_286, %reduce_sum3A_287 [1] : vector<512x256xf32> to vector<512xf32>
      %broadcast_in_dim3A_289 = vector.shape_cast %reduce_sum3A_288 : vector<512xf32> to vector<512x1xf32>
      %div3A_290 = arith.constant 2.560000e+02 : f32
      %div3A_291 = vector.broadcast %div3A_290 : f32 to vector<512x1xf32>
      %div3A_292 = arith.divf %broadcast_in_dim3A_289, %div3A_291 : vector<512x1xf32>
      %sub3A_293 = vector.broadcast %div3A_283 : vector<512x1xf32> to vector<512x256xf32>
      %sub3A_294 = arith.subf %slice3A_277, %sub3A_293 : vector<512x256xf32>
      %add3A_295 = arith.constant 9.99999974E-6 : f32
      %add3A_296 = vector.broadcast %add3A_295 : f32 to vector<512x1xf32>
      %add3A_297 = arith.addf %div3A_292, %add3A_296 : vector<512x1xf32>
      %sqrt3A_298 = math.sqrt %add3A_297 : vector<512x1xf32>
      %div3A_299 = vector.broadcast %sqrt3A_298 : vector<512x1xf32> to vector<512x256xf32>
      %div3A_300 = arith.divf %sub3A_294, %div3A_299 : vector<512x256xf32>
      %get3A_301 = arith.constant 0 : index
      %get3A_302 = arith.constant 0 : index
      %get3A_303 = vector.load %arg22[%get3A_301, %get3A_302] : memref<1x256xf32, #tpu.memory_space<vmem>>, vector<1x256xf32>
      %mul3A_304 = vector.broadcast %get3A_303 : vector<1x256xf32> to vector<512x256xf32>
      %mul3A_305 = arith.mulf %div3A_300, %mul3A_304 : vector<512x256xf32>
      %get3A_306 = arith.constant 0 : index
      %get3A_307 = arith.constant 0 : index
      %get3A_308 = vector.load %arg23[%get3A_306, %get3A_307] : memref<1x256xf32, #tpu.memory_space<vmem>>, vector<1x256xf32>
      %add3A_309 = vector.broadcast %get3A_308 : vector<1x256xf32> to vector<512x256xf32>
      %add3A_310 = arith.addf %mul3A_305, %add3A_309 : vector<512x256xf32>
      %slice3A_311 = vector.extract_strided_slice %add3A_310 {offsets = [0, 0], sizes = [511, 256], strides = [1, 1]} : vector<512x256xf32> to vector<511x256xf32>
      %concatenate3A_312 = tpu.concatenate %broadcast_in_dim3A_15, %slice3A_311 in 0 : vector<1x256xf32>, vector<511x256xf32> -> vector<512x256xf32>
      %slice3A_313 = vector.extract_strided_slice %add3A_310 {offsets = [1, 0], sizes = [511, 256], strides = [1, 1]} : vector<512x256xf32> to vector<511x256xf32>
      %concatenate3A_314 = tpu.concatenate %slice3A_313, %broadcast_in_dim3A_15 in 0 : vector<511x256xf32>, vector<1x256xf32> -> vector<512x256xf32>
      %concatenate3A_315 = tpu.concatenate %concatenate3A_312, %add3A_310, %concatenate3A_314 in 1 : vector<512x256xf32>, vector<512x256xf32>, vector<512x256xf32> -> vector<512x768xf32>
      %get3A_316 = arith.constant 0 : index
      %get3A_317 = arith.constant 0 : index
      %get3A_318 = vector.load %arg24[%get3A_316, %get3A_317] : memref<768x256xf32, #tpu.memory_space<vmem>>, vector<768x256xf32>
      %dot_general3A_319 = arith.constant dense<0.000000e+00> : vector<512x256xf32>
      %dot_general3A_320 = tpu.matmul %concatenate3A_315, %get3A_318, %dot_general3A_319 {dimension_numbers = #tpu.dot_dimension_numbers<[1], [0], [0], [1], [0, 0, 1, 1], [], []>, transpose_lhs_hint = false} : vector<512x768xf32>, vector<768x256xf32>, vector<512x256xf32> -> vector<512x256xf32>
      %get3A_321 = arith.constant 0 : index
      %get3A_322 = arith.constant 0 : index
      %get3A_323 = vector.load %arg25[%get3A_321, %get3A_322] : memref<1x256xf32, #tpu.memory_space<vmem>>, vector<1x256xf32>
      %add3A_324 = vector.broadcast %get3A_323 : vector<1x256xf32> to vector<512x256xf32>
      %add3A_325 = arith.addf %dot_general3A_320, %add3A_324 : vector<512x256xf32>
      %max3A_326 = arith.constant 0.000000e+00 : f32
      %max3A_327 = vector.broadcast %max3A_326 : f32 to vector<512x256xf32>
      %max3A_328 = arith.maximumf %add3A_325, %max3A_327 : vector<512x256xf32>
      %reduce_sum3A_329 = arith.constant dense<0.000000e+00> : vector<512xf32>
      %reduce_sum3A_330 = vector.multi_reduction <add>, %max3A_328, %reduce_sum3A_329 [1] : vector<512x256xf32> to vector<512xf32>
      %broadcast_in_dim3A_331 = vector.shape_cast %reduce_sum3A_330 : vector<512xf32> to vector<512x1xf32>
      %div3A_332 = arith.constant 2.560000e+02 : f32
      %div3A_333 = vector.broadcast %div3A_332 : f32 to vector<512x1xf32>
      %div3A_334 = arith.divf %broadcast_in_dim3A_331, %div3A_333 : vector<512x1xf32>
      %sub3A_335 = vector.broadcast %div3A_334 : vector<512x1xf32> to vector<512x256xf32>
      %sub3A_336 = arith.subf %max3A_328, %sub3A_335 : vector<512x256xf32>
      %integer_pow3A_337 = arith.mulf %sub3A_336, %sub3A_336 : vector<512x256xf32>
      %reduce_sum3A_338 = arith.constant dense<0.000000e+00> : vector<512xf32>
      %reduce_sum3A_339 = vector.multi_reduction <add>, %integer_pow3A_337, %reduce_sum3A_338 [1] : vector<512x256xf32> to vector<512xf32>
      %broadcast_in_dim3A_340 = vector.shape_cast %reduce_sum3A_339 : vector<512xf32> to vector<512x1xf32>
      %div3A_341 = arith.constant 2.560000e+02 : f32
      %div3A_342 = vector.broadcast %div3A_341 : f32 to vector<512x1xf32>
      %div3A_343 = arith.divf %broadcast_in_dim3A_340, %div3A_342 : vector<512x1xf32>
      %sub3A_344 = vector.broadcast %div3A_334 : vector<512x1xf32> to vector<512x256xf32>
      %sub3A_345 = arith.subf %max3A_328, %sub3A_344 : vector<512x256xf32>
      %add3A_346 = arith.constant 9.99999974E-6 : f32
      %add3A_347 = vector.broadcast %add3A_346 : f32 to vector<512x1xf32>
      %add3A_348 = arith.addf %div3A_343, %add3A_347 : vector<512x1xf32>
      %sqrt3A_349 = math.sqrt %add3A_348 : vector<512x1xf32>
      %div3A_350 = vector.broadcast %sqrt3A_349 : vector<512x1xf32> to vector<512x256xf32>
      %div3A_351 = arith.divf %sub3A_345, %div3A_350 : vector<512x256xf32>
      %get3A_352 = arith.constant 0 : index
      %get3A_353 = arith.constant 0 : index
      %get3A_354 = vector.load %arg26[%get3A_352, %get3A_353] : memref<1x256xf32, #tpu.memory_space<vmem>>, vector<1x256xf32>
      %mul3A_355 = vector.broadcast %get3A_354 : vector<1x256xf32> to vector<512x256xf32>
      %mul3A_356 = arith.mulf %div3A_351, %mul3A_355 : vector<512x256xf32>
      %get3A_357 = arith.constant 0 : index
      %get3A_358 = arith.constant 0 : index
      %get3A_359 = vector.load %arg27[%get3A_357, %get3A_358] : memref<1x256xf32, #tpu.memory_space<vmem>>, vector<1x256xf32>
      %add3A_360 = vector.broadcast %get3A_359 : vector<1x256xf32> to vector<512x256xf32>
      %add3A_361 = arith.addf %mul3A_356, %add3A_360 : vector<512x256xf32>
      %get3A_362 = arith.constant 0 : index
      %get3A_363 = arith.constant 0 : index
      %get3A_364 = vector.load %arg28[%get3A_362, %get3A_363] : memref<256x1xf32, #tpu.memory_space<vmem>>, vector<256x1xf32>
      %dot_general3A_365 = arith.constant dense<0.000000e+00> : vector<512x1xf32>
      %dot_general3A_366 = tpu.matmul %add3A_361, %get3A_364, %dot_general3A_365 {dimension_numbers = #tpu.dot_dimension_numbers<[1], [0], [0], [1], [0, 0, 1, 1], [], []>, transpose_lhs_hint = false} : vector<512x256xf32>, vector<256x1xf32>, vector<512x1xf32> -> vector<512x1xf32>
      %get3A_367 = arith.constant 0 : index
      %get3A_368 = arith.constant 0 : index
      %get3A_369 = vector.load %arg29[%get3A_367, %get3A_368] : memref<1x1xf32, #tpu.memory_space<vmem>>, vector<1x1xf32>
      %add3A_370 = vector.broadcast %get3A_369 : vector<1x1xf32> to vector<512x1xf32>
      %add3A_371 = arith.addf %dot_general3A_366, %add3A_370 : vector<512x1xf32>
      %eq3A_372 = arith.constant 0.000000e+00 : f32
      %eq3A_373 = vector.broadcast %eq3A_372 : f32 to vector<512x1xf32>
      %eq3A_374 = arith.cmpf oeq, %get3A_14, %eq3A_373 : vector<512x1xf32>
      %jit3A_375 = arith.constant 0.000000e+00 : f32
      %broadcast_in_dim3A_376 = vector.broadcast %jit3A_375 : f32 to vector<512x1xf32>
      %select_n3A_377 = arith.select %eq3A_374, %broadcast_in_dim3A_376, %add3A_371 : vector<512x1xi1>, vector<512x1xf32>
      %mul3A_378 = arith.constant 1.000000e+00 : f32
      %mul3A_379 = vector.broadcast %mul3A_378 : f32 to vector<512x1xf32>
      %mul3A_380 = arith.mulf %select_n3A_276, %mul3A_379 : vector<512x1xf32>
      %jit3A_381 = arith.constant -3.000000e+00 : f32
      %jit3A_382 = arith.constant 3.000000e+00 : f32
      %max3A_383 = vector.broadcast %jit3A_381 : f32 to vector<512x1xf32>
      %max3A_384 = arith.maximumf %max3A_383, %mul3A_380 : vector<512x1xf32>
      %min3A_385 = vector.broadcast %jit3A_382 : f32 to vector<512x1xf32>
      %min3A_386 = arith.minimumf %min3A_385, %max3A_384 : vector<512x1xf32>
      %sub3A_387 = arith.constant -3.000000e+00 : f32
      %sub3A_388 = vector.broadcast %sub3A_387 : f32 to vector<512x1xf32>
      %sub3A_389 = arith.subf %min3A_386, %sub3A_388 : vector<512x1xf32>
      %mul3A_390 = arith.constant 42.3333321 : f32
      %mul3A_391 = vector.broadcast %mul3A_390 : f32 to vector<512x1xf32>
      %mul3A_392 = arith.mulf %sub3A_389, %mul3A_391 : vector<512x1xf32>
      %ceil3A = math.ceil %mul3A_392 : vector<512x1xf32>
      %eq3A_393 = vector.broadcast %ceil3A : vector<512x1xf32> to vector<512x256xf32>
      %eq3A_394 = arith.cmpf oeq, %convert_element_type3A_175, %eq3A_393 : vector<512x256xf32>
      %convert_element_type3A_395 = arith.extui %eq3A_394 : vector<512x256xi1> to vector<512x256xi32>
      %convert_element_type3A_396 = arith.sitofp %convert_element_type3A_395 : vector<512x256xi32> to vector<512x256xf32>
      %mul3A_397 = arith.constant 1.000000e+00 : f32
      %mul3A_398 = vector.broadcast %mul3A_397 : f32 to vector<512x1xf32>
      %mul3A_399 = arith.mulf %select_n3A_377, %mul3A_398 : vector<512x1xf32>
      %add3A_400 = arith.constant 0.000000e+00 : f32
      %add3A_401 = vector.broadcast %add3A_400 : f32 to vector<512x1xf32>
      %add3A_402 = arith.addf %mul3A_399, %add3A_401 : vector<512x1xf32>
      %jit3A_403 = arith.constant 0.000000e+00 : f32
      %jit3A_404 = arith.constant 1.000000e+00 : f32
      %max3A_405 = vector.broadcast %jit3A_403 : f32 to vector<512x1xf32>
      %max3A_406 = arith.maximumf %max3A_405, %add3A_402 : vector<512x1xf32>
      %min3A_407 = vector.broadcast %jit3A_404 : f32 to vector<512x1xf32>
      %min3A_408 = arith.minimumf %min3A_407, %max3A_406 : vector<512x1xf32>
      %sub3A_409 = arith.constant 0.000000e+00 : f32
      %sub3A_410 = vector.broadcast %sub3A_409 : f32 to vector<512x1xf32>
      %sub3A_411 = arith.subf %min3A_408, %sub3A_410 : vector<512x1xf32>
      %mul3A_412 = arith.constant 2.540000e+02 : f32
      %mul3A_413 = vector.broadcast %mul3A_412 : f32 to vector<512x1xf32>
      %mul3A_414 = arith.mulf %sub3A_411, %mul3A_413 : vector<512x1xf32>
      %ceil3A_415 = math.ceil %mul3A_414 : vector<512x1xf32>
      %eq3A_416 = vector.broadcast %ceil3A_415 : vector<512x1xf32> to vector<512x256xf32>
      %eq3A_417 = arith.cmpf oeq, %convert_element_type3A_175, %eq3A_416 : vector<512x256xf32>
      %convert_element_type3A_418 = arith.extui %eq3A_417 : vector<512x256xi1> to vector<512x256xi32>
      %convert_element_type3A_419 = arith.sitofp %convert_element_type3A_418 : vector<512x256xi32> to vector<512x256xf32>
      %get3A_420 = arith.constant 0 : index
      %get3A_421 = arith.constant 0 : index
      %get3A_422 = vector.load %arg30[%get3A_420, %get3A_421] : memref<256x256xf32, #tpu.memory_space<vmem>>, vector<256x256xf32>
      %dot_general3A_423 = arith.constant dense<0.000000e+00> : vector<512x256xf32>
      %dot_general3A_424 = tpu.matmul %convert_element_type3A_396, %get3A_422, %dot_general3A_423 {dimension_numbers = #tpu.dot_dimension_numbers<[1], [0], [0], [1], [0, 0, 1, 1], [], []>, transpose_lhs_hint = false} : vector<512x256xf32>, vector<256x256xf32>, vector<512x256xf32> -> vector<512x256xf32>
      %get3A_425 = arith.constant 0 : index
      %get3A_426 = arith.constant 0 : index
      %get3A_427 = vector.load %arg31[%get3A_425, %get3A_426] : memref<256x256xf32, #tpu.memory_space<vmem>>, vector<256x256xf32>
      %dot_general3A_428 = arith.constant dense<0.000000e+00> : vector<512x256xf32>
      %dot_general3A_429 = tpu.matmul %convert_element_type3A_419, %get3A_427, %dot_general3A_428 {dimension_numbers = #tpu.dot_dimension_numbers<[1], [0], [0], [1], [0, 0, 1, 1], [], []>, transpose_lhs_hint = false} : vector<512x256xf32>, vector<256x256xf32>, vector<512x256xf32> -> vector<512x256xf32>
      %add3A_430 = arith.addf %get3A_9, %dot_general3A_424 : vector<512x256xf32>
      %add3A_431 = arith.addf %add3A_430, %dot_general3A_429 : vector<512x256xf32>
      %swap3A_432 = arith.constant 0 : index
      %swap3A_433 = arith.constant 0 : index
      %swap3A_434 = vector.load %arg32[%swap3A_432, %swap3A_433] : memref<512x256xf32, #tpu.memory_space<vmem>>, vector<512x256xf32>
      tpu.vector_store %arg32[%swap3A_432, %swap3A_433], %add3A_431 {strides = array<i32>} : memref<512x256xf32, #tpu.memory_space<vmem>>, vector<512x256xf32>,
    } else {
    }
    return
  }
  func.func @transform_0(%arg0: i32) -> (i32, i32, i32) {
    %min3A = arith.constant 7 : i32
    %min3A_0 = arith.minsi %arg0, %min3A : i32
    %c0_i32 = arith.constant 0 : i32
    %c0_i32_1 = arith.constant 0 : i32
    %c0_i32_2 = arith.constant 0 : i32
    return %min3A_0, %c0_i32, %c0_i32_1 : i32, i32, i32
  }
  func.func @transform_1(%arg0: i32) -> (i32, i32, i32) {
    %min3A = arith.constant 7 : i32
    %min3A_0 = arith.minsi %arg0, %min3A : i32
    %c0_i32 = arith.constant 0 : i32
    %c0_i32_1 = arith.constant 0 : i32
    %c0_i32_2 = arith.constant 0 : i32
    return %min3A_0, %c0_i32, %c0_i32_1 : i32, i32, i32
  }
  func.func @transform_2(%arg0: i32) -> (i32, i32) {
    %c0_i32 = arith.constant 0 : i32
    %c0_i32_0 = arith.constant 0 : i32
    %c0_i32_1 = arith.constant 0 : i32
    return %c0_i32, %c0_i32_0 : i32, i32
  }
  func.func @transform_3(%arg0: i32) -> (i32, i32) {
    %c0_i32 = arith.constant 0 : i32
    %c0_i32_0 = arith.constant 0 : i32
    %c0_i32_1 = arith.constant 0 : i32
    return %c0_i32, %c0_i32_0 : i32, i32
  }
  func.func @transform_4(%arg0: i32) -> (i32, i32) {
    %c0_i32 = arith.constant 0 : i32
    %c0_i32_0 = arith.constant 0 : i32
    %c0_i32_1 = arith.constant 0 : i32
    return %c0_i32, %c0_i32_0 : i32, i32
  }
  func.func @transform_5(%arg0: i32) -> (i32, i32) {
    %c0_i32 = arith.constant 0 : i32
    %c0_i32_0 = arith.constant 0 : i32
    %c0_i32_1 = arith.constant 0 : i32
    return %c0_i32, %c0_i32_0 : i32, i32
  }
  func.func @transform_6(%arg0: i32) -> (i32, i32) {
    %c0_i32 = arith.constant 0 : i32
    %c0_i32_0 = arith.constant 0 : i32
    %c0_i32_1 = arith.constant 0 : i32
    return %c0_i32, %c0_i32_0 : i32, i32
  }
  func.func @transform_7(%arg0: i32) -> (i32, i32) {
    %c0_i32 = arith.constant 0 : i32
    %c0_i32_0 = arith.constant 0 : i32
    %c0_i32_1 = arith.constant 0 : i32
    return %c0_i32, %c0_i32_0 : i32, i32
  }
  func.func @transform_8(%arg0: i32) -> (i32, i32) {
    %c0_i32 = arith.constant 0 : i32
    %c0_i32_0 = arith.constant 0 : i32
    %c0_i32_1 = arith.constant 0 : i32
    return %c0_i32, %c0_i32_0 : i32, i32
  }
  func.func @transform_9(%arg0: i32) -> (i32, i32) {
    %c0_i32 = arith.constant 0 : i32
    %c0_i32_0 = arith.constant 0 : i32
    %c0_i32_1 = arith.constant 0 : i32
    return %c0_i32, %c0_i32_0 : i32, i32
  }
  func.func @transform_10(%arg0: i32) -> (i32, i32) {
    %c0_i32 = arith.constant 0 : i32
    %c0_i32_0 = arith.constant 0 : i32
    %c0_i32_1 = arith.constant 0 : i32
    return %c0_i32, %c0_i32_0 : i32, i32
  }
  func.func @transform_11(%arg0: i32) -> (i32, i32) {
    %c0_i32 = arith.constant 0 : i32
    %c0_i32_0 = arith.constant 0 : i32
    %c0_i32_1 = arith.constant 0 : i32
    return %c0_i32, %c0_i32_0 : i32, i32
  }
  func.func @transform_12(%arg0: i32) -> (i32, i32) {
    %c0_i32 = arith.constant 0 : i32
    %c0_i32_0 = arith.constant 0 : i32
    %c0_i32_1 = arith.constant 0 : i32
    return %c0_i32, %c0_i32_0 : i32, i32
  }
  func.func @transform_13(%arg0: i32) -> (i32, i32) {
    %c0_i32 = arith.constant 0 : i32
    %c0_i32_0 = arith.constant 0 : i32
    %c0_i32_1 = arith.constant 0 : i32
    return %c0_i32, %c0_i32_0 : i32, i32
  }
  func.func @transform_14(%arg0: i32) -> (i32, i32) {
    %c0_i32 = arith.constant 0 : i32
    %c0_i32_0 = arith.constant 0 : i32
    %c0_i32_1 = arith.constant 0 : i32
    return %c0_i32, %c0_i32_0 : i32, i32
  }
  func.func @transform_15(%arg0: i32) -> (i32, i32) {
    %c0_i32 = arith.constant 0 : i32
    %c0_i32_0 = arith.constant 0 : i32
    %c0_i32_1 = arith.constant 0 : i32
    return %c0_i32, %c0_i32_0 : i32, i32
  }
  func.func @transform_16(%arg0: i32) -> (i32, i32) {
    %c0_i32 = arith.constant 0 : i32
    %c0_i32_0 = arith.constant 0 : i32
    %c0_i32_1 = arith.constant 0 : i32
    return %c0_i32, %c0_i32_0 : i32, i32
  }
  func.func @transform_17(%arg0: i32) -> (i32, i32) {
    %c0_i32 = arith.constant 0 : i32
    %c0_i32_0 = arith.constant 0 : i32
    %c0_i32_1 = arith.constant 0 : i32
    return %c0_i32, %c0_i32_0 : i32, i32
  }
  func.func @transform_18(%arg0: i32) -> (i32, i32) {
    %c0_i32 = arith.constant 0 : i32
    %c0_i32_0 = arith.constant 0 : i32
    %c0_i32_1 = arith.constant 0 : i32
    return %c0_i32, %c0_i32_0 : i32, i32
  }
  func.func @transform_19(%arg0: i32) -> (i32, i32) {
    %c0_i32 = arith.constant 0 : i32
    %c0_i32_0 = arith.constant 0 : i32
    %c0_i32_1 = arith.constant 0 : i32
    return %c0_i32, %c0_i32_0 : i32, i32
  }
  func.func @transform_20(%arg0: i32) -> (i32, i32) {
    %c0_i32 = arith.constant 0 : i32
    %c0_i32_0 = arith.constant 0 : i32
    %c0_i32_1 = arith.constant 0 : i32
    return %c0_i32, %c0_i32_0 : i32, i32
  }
  func.func @transform_21(%arg0: i32) -> (i32, i32) {
    %c0_i32 = arith.constant 0 : i32
    %c0_i32_0 = arith.constant 0 : i32
    %c0_i32_1 = arith.constant 0 : i32
    return %c0_i32, %c0_i32_0 : i32, i32
  }
  func.func @transform_22(%arg0: i32) -> (i32, i32) {
    %c0_i32 = arith.constant 0 : i32
    %c0_i32_0 = arith.constant 0 : i32
    %c0_i32_1 = arith.constant 0 : i32
    return %c0_i32, %c0_i32_0 : i32, i32
  }
  func.func @transform_23(%arg0: i32) -> (i32, i32) {
    %c0_i32 = arith.constant 0 : i32
    %c0_i32_0 = arith.constant 0 : i32
    %c0_i32_1 = arith.constant 0 : i32
    return %c0_i32, %c0_i32_0 : i32, i32
  }
  func.func @transform_24(%arg0: i32) -> (i32, i32) {
    %c0_i32 = arith.constant 0 : i32
    %c0_i32_0 = arith.constant 0 : i32
    %c0_i32_1 = arith.constant 0 : i32
    return %c0_i32, %c0_i32_0 : i32, i32
  }
  func.func @transform_25(%arg0: i32) -> (i32, i32) {
    %c0_i32 = arith.constant 0 : i32
    %c0_i32_0 = arith.constant 0 : i32
    %c0_i32_1 = arith.constant 0 : i32
    return %c0_i32, %c0_i32_0 : i32, i32
  }
  func.func @transform_26(%arg0: i32) -> (i32, i32) {
    %c0_i32 = arith.constant 0 : i32
    %c0_i32_0 = arith.constant 0 : i32
    %c0_i32_1 = arith.constant 0 : i32
    return %c0_i32, %c0_i32_0 : i32, i32
  }
  func.func @transform_27(%arg0: i32) -> (i32, i32) {
    %c0_i32 = arith.constant 0 : i32
    %c0_i32_0 = arith.constant 0 : i32
    %c0_i32_1 = arith.constant 0 : i32
    return %c0_i32, %c0_i32_0 : i32, i32
  }
  func.func @transform_28(%arg0: i32) -> (i32, i32) {
    %c0_i32 = arith.constant 0 : i32
    %c0_i32_0 = arith.constant 0 : i32
    %c0_i32_1 = arith.constant 0 : i32
    return %c0_i32, %c0_i32_0 : i32, i32
  }
  func.func @transform_29(%arg0: i32) -> (i32, i32) {
    %c0_i32 = arith.constant 0 : i32
    %c0_i32_0 = arith.constant 0 : i32
    %c0_i32_1 = arith.constant 0 : i32
    return %c0_i32, %c0_i32_0 : i32, i32
  }
  func.func @transform_30(%arg0: i32) -> (i32, i32) {
    %c0_i32 = arith.constant 0 : i32
    %c0_i32_0 = arith.constant 0 : i32
    %c0_i32_1 = arith.constant 0 : i32
    return %c0_i32, %c0_i32_0 : i32, i32
  }
  func.func @transform_31(%arg0: i32) -> (i32, i32) {
    %c0_i32 = arith.constant 0 : i32
    %c0_i32_0 = arith.constant 0 : i32
    return %arg0, %c0_i32 : i32, i32
  }
  func.func @transform_32(%arg0: i32) -> (i32, i32, i32) {
    %c0_i32 = arith.constant 0 : i32
    %c0_i32_0 = arith.constant 0 : i32
    %c0_i32_1 = arith.constant 0 : i32
    return %arg0, %c0_i32, %c0_i32_0 : i32, i32, i32
  }
  func.func @transform_33(%arg0: i32) -> (i32, i32, i32) {
    %c0_i32 = arith.constant 0 : i32
    %c0_i32_0 = arith.constant 0 : i32
    %c0_i32_1 = arith.constant 0 : i32
    return %arg0, %c0_i32, %c0_i32_0 : i32, i32, i32
  }
  func.func @transform_34(%arg0: i32) -> (i32, i32, i32) {
    %c0_i32 = arith.constant 0 : i32
    %c0_i32_0 = arith.constant 0 : i32
    %c0_i32_1 = arith.constant 0 : i32
    return %arg0, %c0_i32, %c0_i32_0 : i32, i32, i32
  }
}

module attributes {stable_mosaic.version = 14 : i64} {
  func.func @_tc_gidx_full_body(%arg0: i32, %arg1: memref<1x512x1xf32, #tpu.memory_space<vmem>>, %arg2: memref<1x1x2048xi32, #tpu.memory_space<vmem>>) attributes {dimension_semantics = [#tpu.dimension_semantics<arbitrary>], iteration_bounds = array<i64: 8>, scalar_prefetch = 0 : i64, scratch_operands = 0 : i64, tpu.core_type = #tpu.core_type<tc>, window_params = [{transform_indices = @transform_0, window_bounds = array<i64: 1, 512, 1>}, {transform_indices = @transform_1, window_bounds = array<i64: 1, 1, 2048>}]} {
    %get3A = arith.constant 0 : index
    %get3A_0 = arith.constant 0 : index
    %get3A_1 = arith.constant 0 : index
    %get3A_2 = vector.load %arg1[%get3A, %get3A_0, %get3A_1] : memref<1x512x1xf32, #tpu.memory_space<vmem>>, vector<1x512x1xf32>
    %get3A_3 = vector.shape_cast %get3A_2 : vector<1x512x1xf32> to vector<512x1xf32>
    %iota3A = tpu.iota {dimensions = array<i32: 1>} : vector<1x2048xi32>
    %convert_element_type3A = arith.sitofp %iota3A : vector<1x2048xi32> to vector<1x2048xf32>
    %le3A = vector.broadcast %get3A_3 : vector<512x1xf32> to vector<512x2048xf32>
    %le3A_4 = vector.broadcast %convert_element_type3A : vector<1x2048xf32> to vector<512x2048xf32>
    %le3A_5 = arith.cmpf ole, %le3A, %le3A_4 : vector<512x2048xf32>
    %convert_element_type3A_6 = arith.extui %le3A_5 : vector<512x2048xi1> to vector<512x2048xi32>
    %convert_element_type3A_7 = arith.sitofp %convert_element_type3A_6 : vector<512x2048xi32> to vector<512x2048xf32>
    %reduce_sum3A = arith.constant dense<0.000000e+00> : vector<2048xf32>
    %reduce_sum3A_8 = vector.multi_reduction <add>, %convert_element_type3A_7, %reduce_sum3A [0] : vector<512x2048xf32> to vector<2048xf32>
    %broadcast_in_dim3A = vector.shape_cast %reduce_sum3A_8 : vector<2048xf32> to vector<1x2048xf32>
    %convert_element_type3A_9 = arith.fptosi %broadcast_in_dim3A : vector<1x2048xf32> to vector<1x2048xi32>
    %ge3A = arith.constant 512 : i32
    %ge3A_10 = vector.broadcast %ge3A : i32 to vector<1x2048xi32>
    %ge3A_11 = arith.cmpi sge, %convert_element_type3A_9, %ge3A_10 : vector<1x2048xi32>
    %mul3A = arith.constant 512 : i32
    %mul3A_12 = arith.muli %arg0, %mul3A : i32
    %add3A = vector.broadcast %mul3A_12 : i32 to vector<1x2048xi32>
    %add3A_13 = arith.addi %convert_element_type3A_9, %add3A : vector<1x2048xi32>
    %jit3A = arith.constant 4096 : i32
    %broadcast_in_dim3A_14 = vector.broadcast %jit3A : i32 to vector<1x2048xi32>
    %select_n3A = arith.select %ge3A_11, %broadcast_in_dim3A_14, %add3A_13 : vector<1x2048xi1>, vector<1x2048xi32>
    %reshape3A = vector.shape_cast %select_n3A : vector<1x2048xi32> to vector<1x1x2048xi32>
    %swap3A = arith.constant 0 : index
    %swap3A_15 = arith.constant 0 : index
    %swap3A_16 = arith.constant 0 : index
    %swap3A_17 = vector.load %arg2[%swap3A, %swap3A_15, %swap3A_16] : memref<1x1x2048xi32, #tpu.memory_space<vmem>>, vector<1x1x2048xi32>
    tpu.vector_store %arg2[%swap3A, %swap3A_15, %swap3A_16], %reshape3A {strides = array<i32>} : memref<1x1x2048xi32, #tpu.memory_space<vmem>>, vector<1x1x2048xi32>,
    return
  }
  func.func @transform_0(%arg0: i32) -> (i32, i32, i32) {
    %c0_i32 = arith.constant 0 : i32
    %c0_i32_0 = arith.constant 0 : i32
    %c0_i32_1 = arith.constant 0 : i32
    return %arg0, %c0_i32, %c0_i32_0 : i32, i32, i32
  }
  func.func @transform_1(%arg0: i32) -> (i32, i32, i32) {
    %c0_i32 = arith.constant 0 : i32
    %c0_i32_0 = arith.constant 0 : i32
    %c0_i32_1 = arith.constant 0 : i32
    return %arg0, %c0_i32, %c0_i32_0 : i32, i32, i32
  }
}

</mosaic_0001>

<sc_bundles>
// kernel: branch_0_fun.3.cloned.1.call-start
scs
__scs_entry_jumppad:
0x0: {  	(pc) =	sbr.rel $0x88, $3  }
0x1: {  	(tag) =	ssettag $0x0;
	lr =	simm.s32 $0x1  }
0x2: {  	[smem:$0x3F7E] =	sst lr;
	_ =	strace $0xD0000000  }
0x3: {  	_ = 	snop  }
0x4: {  	_ = 	snop  }
0x5: {  	_ = 	snop  }
0x6: {  	_ = 	snop  }
0x7: {  	_ = 	snop  }
__scs_overlays_trampoline_lowered:
0x8: {  	[smem:$0x3F8D] =	sst s0  }
0x9: {  	[smem:$0x3F8E] =	sst s1  }
0xa: {  	[smem:$0x3F8F] =	sst s2  }
0xb: {  	[smem:$0x3F90] =	sst s3  }
0xc: {  	[smem:$0x3F91] =	sst s4  }
0xd: {  	[smem:$0x3F92] =	sst s5  }
0xe: {  	[smem:$0x3F93] =	sst s6  }
0xf: {  	[smem:$0x3F94] =	sst s7  }
0x10: {  	[smem:$0x3F95] =	sst s8  }
0x11: {  	[smem:$0x3F96] =	sst s9;
	s0 =	simm.s32 @!p0 $0x0  }
0x12: {  	s1 =	sld [smem:$0x3F7C];
	s0 =	simm.s32 @p0 $0x1  }
0x13: {  	[smem:$0x3F97] =	sst s0;
	s0 =	simm.s32 @!p1 $0x0  }
0x14: {  	s2 =	sld [smem:$0x3F7B];
	s0 =	simm.s32 @p1 $0x1  }
0x15: {  	[smem:$0x3F98] =	sst s0;
	s0 =	simm.s32 @!p2 $0x0  }
0x16: {  	s3 =	sld [smem:$0x3FDB];
	s0 =	simm.s32 @p2 $0x1  }
0x17: {  	s4 =	simm.s32 $0x1BF5;
	[smem:$0x3F9A] =	sst s0  }
0x18: {  	s0 =	sld [smem:$0x3F7D];
	_ =	swait.ge [sflag:s4], $0x0  }
0x19: {  	s7 =	sld [smem:$0x3F7E]  }
0x1a: {  	s8 =	sadd.s32 $0xFFFFE003, lr  }
0x1b: {  	s9 =	sadd.s32 $0xFFFFFEF7, lr;
	s5 =	simm.s32 $0xFFFFFFFF;
	p2 =	slt.u32 s8, $0xFFFFF086  }
0x1c: {  	p1 =	slt.u32 s9, $0xF7A;
	s5 =	simm.s32 @!p2 $0x0  }
0x1d: {  	s5 =	simm.s32 @p1 $0x1;
	p0 =	seq.s32 s7, s2  }
0x1e: {  	s7 =	smul.u32 @!p0 $0xF7A, s2;
	p2 =	seq.s32 @!p0 s5, $0x0  }
0x1f: {  	s9 =	smul.u32 $0xF7A, s1;
	s8 =	simm.s32 @!p0 $0x1BF5;
	p2 =	por !p2, p0  }
0x20: {  	[sflag:s8] =	ssyncset.s32 @!p0 $0xFFFFF086;
	s6 =	sadd.s32 @!p0 s3, s7;
	s7 =	simm.s32 @!p0 $0x108  }
0x21: {  	s3 =	sadd.s32 s3, s9;
	s6 =	sadd.s32 @!p0 $0x88, s6;
	s7 =	simm.s32 @p2 $0x1082  }
0x22: {  	[simem:s7], [sflag:s8] =	dma.local @!p0 [hbm:s6], $0xF7A  }
0x23: {  	s9 =	sor.u32 $0xD0000000, s2;
	s6 =	simm.s32 $0x108;
	_ =	swait.ge @!p0 [sflag:s8], $0x0  }
0x24: {  	s3 =	sadd.s32 $0x88, s3;
	s6 =	simm.s32 @!p1 $0x1082;
	[sflag:s4] =	ssyncset.s32 $0xFFFFF086  }
0x25: {  	[simem:s6], [sflag:s4] =	dma.local [hbm:s3], $0xF7A  }
0x26: {  	[smem:$0x3F7E] =	sst s1;
	(tag) =	ssettag s2;
	_ =	strace s9  }
0x27: {  	s1 =	sld [smem:$0x3F8E]  }
0x28: {  	s2 =	sld [smem:$0x3F8F]  }
0x29: {  	s4 =	sld [smem:$0x3F91]  }
0x2a: {  	p0 =	seq.s32 s5, $0x0;
	s5 =	sld [smem:$0x3F92]  }
0x2b: {  	s6 =	sld [smem:$0x3F93]  }
0x2c: {  	s7 =	sld [smem:$0x3F94]  }
0x2d: {  	s3 =	simm.s32 $0x108;
	s8 =	sld [smem:$0x3F95]  }
0x2e: {  	s3 =	simm.s32 @!p0 $0x1082;
	s9 =	sld [smem:$0x3F96]  }
0x2f: {  	lr =	sadd.s32 s0, s3;
	s0 =	sld [smem:$0x3F8D]  }
0x30: {  	s3 =	sld [smem:$0x3F90]  }
0x31: {  	[smem:$0x3F99] =	sst s10  }
0x32: {  	s10 =	sld [smem:$0x3F97];
	_ =	sdelay $0x3  }
0x33: {  	p0 =	seq.s32 s10, $0x1;
	s10 =	sld [smem:$0x3F99];
	_ =	sdelay $0x3  }
0x34: {  	[smem:$0x3F99] =	sst s10  }
0x35: {  	s10 =	sld [smem:$0x3F98];
	_ =	sdelay $0x3  }
0x36: {  	p1 =	seq.s32 s10, $0x1;
	s10 =	sld [smem:$0x3F99];
	_ =	sdelay $0x3  }
0x37: {  	[smem:$0x3F99] =	sst s10  }
0x38: {  	s10 =	sld [smem:$0x3F9A]  }
0x39: {  	_ = 	snop;
	(pc) =	sbr.ind lr, $3  }
0x3a: {  	_ = 	snop  }
0x3b: {  	_ = 	snop  }
0x3c: {  	p2 =	seq.s32 s10, $0x1;
	s10 =	sld [smem:$0x3F99]  }
0x3d: {  	_ =	shalt  }
0x3e: {  	_ =	shalt  }
0x3f: {  	_ =	shalt  }
0x40: {  	_ =	shalt  }
0x41: {  	_ =	shalt  }
0x42: {  	_ =	shalt  }
0x43: {  	_ =	shalt  }
0x44: {  	_ =	shalt  }
0x45: {  	_ =	shalt  }
0x46: {  	_ =	shalt  }
0x47: {  	_ =	shalt  }
0x48: {  	_ =	shalt  }
0x49: {  	_ =	shalt  }
0x4a: {  	_ =	shalt  }
0x4b: {  	_ =	shalt  }
0x4c: {  	_ =	shalt  }
0x4d: {  	_ =	shalt  }
0x4e: {  	_ =	shalt  }
0x4f: {  	_ =	shalt  }
0x50: {  	_ =	shalt  }
0x51: {  	_ =	shalt  }
0x52: {  	_ =	shalt  }
0x53: {  	_ =	shalt  }
0x54: {  	_ =	shalt  }
0x55: {  	_ =	shalt  }
0x56: {  	_ =	shalt  }
0x57: {  	_ =	shalt  }
0x58: {  	_ =	shalt  }
0x59: {  	_ =	shalt  }
0x5a: {  	_ =	shalt  }
0x5b: {  	_ =	shalt  }
0x5c: {  	_ =	shalt  }
0x5d: {  	_ =	shalt  }
0x5e: {  	_ =	shalt  }
0x5f: {  	_ =	shalt  }
0x60: {  	_ =	shalt  }
0x61: {  	_ =	shalt  }
0x62: {  	_ =	shalt  }
0x63: {  	_ =	shalt  }
0x64: {  	_ =	shalt  }
0x65: {  	_ =	shalt  }
0x66: {  	_ =	shalt  }
0x67: {  	_ =	shalt  }
0x68: {  	_ =	shalt  }
0x69: {  	_ =	shalt  }
0x6a: {  	_ =	shalt  }
0x6b: {  	_ =	shalt  }
0x6c: {  	_ =	shalt  }
0x6d: {  	_ =	shalt  }
0x6e: {  	_ =	shalt  }
0x6f: {  	_ =	shalt  }
0x70: {  	_ =	shalt  }
0x71: {  	_ =	shalt  }
0x72: {  	_ =	shalt  }
0x73: {  	_ =	shalt  }
0x74: {  	_ =	shalt  }
0x75: {  	_ =	shalt  }
0x76: {  	_ =	shalt  }
0x77: {  	_ =	shalt  }
0x78: {  	_ =	shalt  }
0x79: {  	_ =	shalt  }
0x7a: {  	_ =	shalt  }
0x7b: {  	_ =	shalt  }
0x7c: {  	_ =	shalt  }
0x7d: {  	_ =	shalt  }
0x7e: {  	_ =	shalt  }
0x7f: {  	_ =	shalt  }
0x80: {  	_ =	shalt  }
0x81: {  	_ =	shalt  }
0x82: {  	_ =	shalt  }
0x83: {  	_ =	shalt  }
0x84: {  	_ =	shalt  }
0x85: {  	_ =	shalt  }
0x86: {  	_ =	shalt  }
0x87: {  	_ =	shalt  }
.Lfunc_end0:
.L_simem_size_0:
called_computation_lowered:
.L_overlay_start_0:
0x88: {  	s2 =	sld [smem:$0x3FD9]  }
0x89: {  	s3 =	sld [smem:$0x3FFE];
	_ =	sdelay $0x1  }
0x8a: {  	s1 =	srdreg.scid  }
0x8b: {  	s0 =	sand.u32 $0x1, s1  }
0x8c: {  	s14 =	sshll.u32 s0, $0xA;
	s2 =	sadd.s32 s3, s2  }
0x8d: {  	s2 =	sadd.s32 s2, s14  }
0x8e: {  	[smem:$0x3FA5] =	sst s2  }
0x8f: {  	_ = 	snop  }
0x90: {  	s2 =	sld [smem:$0x3FD0];
	_ =	sdelay $0x2  }
0x91: {  	s15 =	simm.s32 $0xA;
	s4 =	simm.s32 $0x10  }
0x92: {  	[smem:s4], [sflag:s15] =	dma.local [hbm:s2], $0x1  }
0x93: {  	_ =	swait.eq [sflag:s15], $0x1  }
0x94: {  	[sflag:s15] =	ssyncset.done $0x0  }
0x95: {  	[sflag:s15] =	ssyncadd.s32 $0xFFFFFFFF  }
0x96: {  	s16 =	sld [smem:$0x10];
	(tm) =	ssettm $0x1  }
0x97: {  	s17 =	sld [smem:$0x3FFB];
	_ =	sdelay $0x3  }
0x98: {  	_ =	strace s17  }
0x99: {  	s3 =	sld [smem:$0x3FFC];
	_ =	sdelay $0x3  }
0x9a: {  	_ =	strace s3  }
0x9b: {  	s3 =	sld [smem:$0x3FFD];
	_ =	sdelay $0x3  }
0x9c: {  	_ =	strace s3  }
0x9d: {  	_ =	strace $0x8FFFFFFF  }
0x9e: {  	s18 =	sld [smem:$0x3FDB];
	_ =	sdelay $0x1  }
0x9f: {  	s19 =	simm.s32 $_scs_section_size  }
0xa0: {  	s5 =	simm.s32 $_size__tile_overlayer_lowered;
	s6 =	simm.s32 $_tile_overlayer_lowered  }
0xa1: {  	s22 =	simm.s32 $0x1BFF;
	s21 =	sshll.u32 s6, $0x1;
	s3 =	sadd.s32 s19, s18  }
0xa2: {  	s7 =	simm.s32 $0x0;
	s20 =	sshll.u32 s5, $0x1;
	s5 =	sadd.s32 s21, s3  }
0xa3: {  	[timem:s7], [sflag:s22] =	dma.local [hbm:s5], s20  }
0xa4: {  	_ =	swait.ge [sflag:s22], s20  }
0xa5: {  	s4 =	ssub.s32 $0x0, s20;
	[sflag:s22] =	ssyncset.done $0x0  }
0xa6: {  	[sflag:s22] =	ssyncadd.s32 s4;
	_ =	sdelay $0x1  }
0xa7: {  	s23 =	simm.s32 $0x1B8B  }
0xa8: {  	_ =	swait.ge [sflag:s23], $0x1  }
0xa9: {  	[sflag:s23] =	ssyncset.done $0x0  }
0xaa: {  	s25 =	simm.s32 $0x1B8E;
	s24 =	sld [smem:$0x3FFE];
	[sflag:s23] =	ssyncadd.s32 $0xFFFFFFFF  }
0xab: {  	s26 =	simm.s32 $execute0_lowered;
	[smem:$0x3FD2] =	sst s25  }
0xac: {  	s5 =	sshll.u32 s26, $0x1;
	_ =	strace $0x80000046;
	[dreg:$0x1] =	wrdreg $0xFFFFFFFF  }
0xad: {  	s28 =	simm.s32 $_size_execute0_lowered;
	s3 =	sadd.s32 s3, s5;
	[dreg:$0x0] =	wrdreg $0x0  }
0xae: {  	s5 =	sshll.u32 s28, $0x1;
	[dreg:$0x2] =	wrdreg s3  }
0xaf: {  	[dreg:$0x3] =	wrdreg s5  }
0xb0: {  	[dreg:$0x4] =	wrdreg $0xC0  }
0xb1: {  	_ =	task [dreg:s7], $0x5FFFF  }
0xb2: {  	[dreg:$0x1] =	wrdreg $0xFFFFFFFF  }
0xb3: {  	[dreg:$0x0] =	wrdreg $0x60  }
0xb4: {  	[dreg:$0x2] =	wrdreg s24  }
0xb5: {  	[dreg:$0x3] =	wrdreg s16  }
0xb6: {  	[dreg:$0x4] =	wrdreg $0x9  }
0xb7: {  	_ =	task.clear_ibuf [dreg:s7], $0x5FFFF;
	_ =	strace $0x90000046  }
0xb8: {  	s29 =	simm.s32 $0x9;
	_ =	strace $0x80000048  }
0xb9: {  	_ =	swait.ge [sflag:s29], $0x1  }
0xba: {  	[sflag:s29] =	ssyncadd.s32 $0xFFFFFFFF  }
0xbb: {  	_ =	strace $0x90000048  }
0xbc: {  	_ =	sfence  }
0xbd: {  	s30 =	sld [smem:$0x0];
	_ =	sdelay $0x2  }
0xbe: {  	s31 =	sshll.u32 s1, $0xD;
	s1 =	sshrl.u32 s1, $0x2  }
0xbf: {  	s3 =	sand.u32 $0x4000, s31;
	s1 =	sadd.s32 s1, s30  }
0xc0: {  	s0 =	sor.u32 s3, s0;
	s1 =	sshll.u32 s1, $0x11  }
0xc1: {  	s0 =	sor.u32 s1, s0  }
0xc2: {  	s0 =	sadd.s32 $0x8F2B, s0  }
0xc3: {  	[sflag:s0] =	ssyncadd.remote.s32 $0x1  }
0xc4: {  	_ =	sfence.sel $0xFFFF  }
0xc5: {  	[dreg:$0x0] =	wrdreg $0xFFFFFFFF;
	(pc) =	sbr.abs _section_cstart, $3  }
0xc6: {  	[dreg:$0x1] =	wrdreg $0xFFFFFFFF  }
0xc7: {  	_ =	task.clear_ibuf [dreg:s7], $0x2FFFF;
	_ =	strace $0x9FFFFFFF  }
0xc8: {  	(tm) =	ssettm $0x7FFFFFFF  }
0xc9: {  	_ =	shalt  }
tec
execute0_lowered:
.L_overlay_start_1:
0x0: {  	(tag) =	ssettag $0x1  }
0x1: {  	s4 =	rddreg [dreg:$0x0]  }
0x2: {  	s5 =	rddreg [dreg:$0x1]  }
0x3: {  	s0 =	rddreg [dreg:$0x2]  }
0x4: {  	s2 =	simm.s32 $0x0;
	s3 =	srdreg.scid;
	s1 =	stileid.u32  }
0x5: {  	s10 =	simm.s32 $0x1080;
	s11 =	simm.s32 $0x1880;
	s12 =	simm.s32 $0x1  }
0x6: {  	[smem:$0x7FF] =	sst s2;
	s3 =	sand.u32 $0x1, s3;
	s6 =	sshll.u32 s1, $0x1  }
0x7: {  	_ =	strace $0x80000047;
	s6 =	sor.u32 s3, s6;
	s7 =	ssub.s32 $0x2, s3  }
0x8: {  	s3 =	sadd.s32 $0x3A00, s4;
	s8 =	sshll.u32 s6, $0xA;
	s9 =	sshrl.u32 s7, $0x1  }
0x9: {  	v2 =	vlaneseq.u32;
	s31 =	sshll.u32 s6, $0x4;
	s8 =	sadd.s32 s8, s4;
	s7 =	ssub.s32 s7, s9  }
0xa: {  	vm0 =	vmmov $0xffff;
	v1 =	vshrl.u32 v2, $0x3;
	s4 =	sadd.s32 s5, s31;
	s9 =	simm.s32 $0x880;
	s5 =	sadd.s32 $0x27A00, s8  }
0xb: {  	v0 =	vand.u32 $0x7, v2;
	v2 =	vor.u32 $0x8, v2;
	v1 =	vmul.u32 $0x8, v1;
	s6 =	smax.u32 s7, $0x1;
	s7 =	simm.s32 $0x2;
	s8 =	simm.s32 $0x80  }
.LBB2_1:
0xc: {  	[tilespmem:s2], [sflag:$0x2] =	stream.linear.gather [hbm4b:s4+s2], $0x80, $0x38;
	[tilespmem:$0x2080] =	vst v63  }
0xd: {  	_ =	swait.ge [sflag:s7], $0x80  }
0xe: {  	[sflag:s7] =	ssyncset.done $0x0  }
0xf: {  	[sflag:s7] =	ssyncadd.s32 $0xFFFFFF80  }
0x10: {  	v3 =	vld [tilespmem:$0x0];
	_ =	sdelay $0x4  }
0x11: {  	v4 =	vshll.u32 v3, $0x1  }
0x12: {  	v3 =	vand.u32 $0x7, v3;
	v4 =	vand.u32 $0xFFFFFFF0, v4  }
0x13: {  	v3 =	vor.u32 v3, v4  }
0x14: {  	v4 =	vperm.xlane v3, v0;
	_ =	sdelay $0x1  }
0x15: {  	v3 =	vperm.xlane v3, v2;
	v4 =	vadd.s32 v1, v4;
	_ =	sdelay $0x1  }
0x16: {  	v3 =	vadd.s32 v1, v3;
	_ =	sdelay $0x2  }
0x17: {  	[tilespmem:s8], [sflag:$0x1] =	stream.indirect_vreg.gather [hbm4b:s3+s2], $0x80, v4, vm0, $0xb8;
	[tilespmem:$0x2080] =	vst v63  }
0x18: {  	_ = 	snop  }
0x19: {  	[tilespmem:s9], [sflag:$0x1] =	stream.indirect_vreg.gather [hbm4b:s3+s2], $0x80, v3, vm0, $0xb8;
	[tilespmem:$0x2080] =	vst v63  }
0x1a: {  	v3 =	vld [tilespmem:$0x10];
	_ =	sdelay $0x4  }
0x1b: {  	v63 =	vshll.u32 v3, $0x1  }
0x1c: {  	v3 =	vand.u32 $0x7, v3;
	v4 =	vand.u32 $0xFFFFFFF0, v63  }
0x1d: {  	v3 =	vor.u32 v3, v4  }
0x1e: {  	v4 =	vperm.xlane v3, v0;
	_ =	sdelay $0x1  }
0x1f: {  	v3 =	vperm.xlane v3, v2;
	v4 =	vadd.s32 v1, v4;
	_ =	sdelay $0x1  }
0x20: {  	v3 =	vadd.s32 v1, v3;
	_ =	sdelay $0x2  }
0x21: {  	[tilespmem:s10], [sflag:$0x1] =	stream.indirect_vreg.gather [hbm4b:s3+s2], $0x80, v4, vm0, $0xb8;
	[tilespmem:$0x2080] =	vst v63  }
0x22: {  	_ = 	snop  }
0x23: {  	[tilespmem:s11], [sflag:$0x1] =	stream.indirect_vreg.gather [hbm4b:s3+s2], $0x80, v3, vm0, $0xb8;
	[tilespmem:$0x2080] =	vst v63  }
0x24: {  	_ =	swait.ge [sflag:s12], $0x2000  }
0x25: {  	p0 =	sne.s32 s6, $0x1;
	[sflag:s12] =	ssyncset.done $0x0  }
.Ltmp0:
0x26: {  	[sflag:s12] =	ssyncadd.s32 $0xFFFFE000;
	(pc) =	sbr.rel @p0 .LBB2_1-.Ltmp0, $4  }
0x27: {  	[hbm4b:s5+s2] =	stream.linear.scatter [tilespmem:s8], [sflag:$0x2], $0x2000, $0x38;
	[tilespmem:$0x2080] =	vst v63  }
0x28: {  	_ =	swait.ge [sflag:s7], $0x2000  }
0x29: {  	[sflag:s7] =	ssyncset.done $0x0  }
0x2a: {  	s6 =	sadd.s32 $0xFFFFFFFF, s6;
	[sflag:s7] =	ssyncadd.s32 $0xFFFFE000  }
0x2b: {  	_ =	sfence.sel $0x180000  }
0x2c: {  	[bflag:$0x0] =	sbarrier.arrive $0xFFFF  }
0x2d: {  	p0 =	sne.s32 s1, $0x0;
	_ =	strace $0x90000047  }
0x2e: {  	s0 =	sadd.s32 @!p0 $0x100000, s0;
	[bflag:$0x2] =	sbarrier.arrive $0xFFFF  }
0x2f: {  	[sflag:s0] =	ssyncadd.tile.s32 @!p0 $0x1;
	_ =	shalt  }
.Lfunc_end2:
_tile_overlayer_lowered:
.L_overlay_start_2:
0x30: {  	(tag) =	ssettag $0x2  }
0x31: {  	s0 =	rddreg [dreg:$0x0];
	s2 =	stileid.u32  }
0x32: {  	s1 =	rddreg [dreg:$0x1];
	p0 =	sne.s32 s2, $0x0  }
0x33: {  	s3 =	rddreg [dreg:$0x2];
	[bflag:$0x3] =	sbarrier.arrive $0xFFFF;
	s2 =	simm.s32 @!p0 $0x1C02  }
0x34: {  	[timem:s3], [sflag:s2] =	dma.local @!p0 [hbm:s0], s1  }
0x35: {  	s0 =	simm.s32 @!p0 $0x2  }
0x36: {  	_ =	swait.ge @!p0 [sflag:s0], s1  }
0x37: {  	s1 =	ssub.s32 @!p0 $0x0, s1;
	[sflag:s0] =	ssyncset.done @!p0 $0x0  }
0x38: {  	[sflag:s0] =	ssyncadd.s32 @!p0 s1  }
0x39: {  	[bflag:$0x3] =	sbarrier.arrive $0xFFFF  }
0x3a: {  	_ =	shalt  }

// kernel: branch_1_fun.4.cloned.1.call-start
scs
__scs_entry_jumppad:
0x0: {  	(pc) =	sbr.rel $0x88, $3  }
0x1: {  	(tag) =	ssettag $0x0;
	lr =	simm.s32 $0x1  }
0x2: {  	[smem:$0x3F7E] =	sst lr;
	_ =	strace $0xD0000000  }
0x3: {  	_ = 	snop  }
0x4: {  	_ = 	snop  }
0x5: {  	_ = 	snop  }
0x6: {  	_ = 	snop  }
0x7: {  	_ = 	snop  }
__scs_overlays_trampoline_lowered:
0x8: {  	[smem:$0x3F8D] =	sst s0  }
0x9: {  	[smem:$0x3F8E] =	sst s1  }
0xa: {  	[smem:$0x3F8F] =	sst s2  }
0xb: {  	[smem:$0x3F90] =	sst s3  }
0xc: {  	[smem:$0x3F91] =	sst s4  }
0xd: {  	[smem:$0x3F92] =	sst s5  }
0xe: {  	[smem:$0x3F93] =	sst s6  }
0xf: {  	[smem:$0x3F94] =	sst s7  }
0x10: {  	[smem:$0x3F95] =	sst s8  }
0x11: {  	[smem:$0x3F96] =	sst s9;
	s0 =	simm.s32 @!p0 $0x0  }
0x12: {  	s1 =	sld [smem:$0x3F7C];
	s0 =	simm.s32 @p0 $0x1  }
0x13: {  	[smem:$0x3F97] =	sst s0;
	s0 =	simm.s32 @!p1 $0x0  }
0x14: {  	s2 =	sld [smem:$0x3F7B];
	s0 =	simm.s32 @p1 $0x1  }
0x15: {  	[smem:$0x3F98] =	sst s0;
	s0 =	simm.s32 @!p2 $0x0  }
0x16: {  	s3 =	sld [smem:$0x3FDB];
	s0 =	simm.s32 @p2 $0x1  }
0x17: {  	s4 =	simm.s32 $0x1BF5;
	[smem:$0x3F9A] =	sst s0  }
0x18: {  	s0 =	sld [smem:$0x3F7D];
	_ =	swait.ge [sflag:s4], $0x0  }
0x19: {  	s7 =	sld [smem:$0x3F7E]  }
0x1a: {  	s8 =	sadd.s32 $0xFFFFE003, lr  }
0x1b: {  	s9 =	sadd.s32 $0xFFFFFEF7, lr;
	s5 =	simm.s32 $0xFFFFFFFF;
	p2 =	slt.u32 s8, $0xFFFFF086  }
0x1c: {  	p1 =	slt.u32 s9, $0xF7A;
	s5 =	simm.s32 @!p2 $0x0  }
0x1d: {  	s5 =	simm.s32 @p1 $0x1;
	p0 =	seq.s32 s7, s2  }
0x1e: {  	s7 =	smul.u32 @!p0 $0xF7A, s2;
	p2 =	seq.s32 @!p0 s5, $0x0  }
0x1f: {  	s9 =	smul.u32 $0xF7A, s1;
	s8 =	simm.s32 @!p0 $0x1BF5;
	p2 =	por !p2, p0  }
0x20: {  	[sflag:s8] =	ssyncset.s32 @!p0 $0xFFFFF086;
	s6 =	sadd.s32 @!p0 s3, s7;
	s7 =	simm.s32 @!p0 $0x108  }
0x21: {  	s3 =	sadd.s32 s3, s9;
	s6 =	sadd.s32 @!p0 $0x88, s6;
	s7 =	simm.s32 @p2 $0x1082  }
0x22: {  	[simem:s7], [sflag:s8] =	dma.local @!p0 [hbm:s6], $0xF7A  }
0x23: {  	s9 =	sor.u32 $0xD0000000, s2;
	s6 =	simm.s32 $0x108;
	_ =	swait.ge @!p0 [sflag:s8], $0x0  }
0x24: {  	s3 =	sadd.s32 $0x88, s3;
	s6 =	simm.s32 @!p1 $0x1082;
	[sflag:s4] =	ssyncset.s32 $0xFFFFF086  }
0x25: {  	[simem:s6], [sflag:s4] =	dma.local [hbm:s3], $0xF7A  }
0x26: {  	[smem:$0x3F7E] =	sst s1;
	(tag) =	ssettag s2;
	_ =	strace s9  }
0x27: {  	s1 =	sld [smem:$0x3F8E]  }
0x28: {  	s2 =	sld [smem:$0x3F8F]  }
0x29: {  	s4 =	sld [smem:$0x3F91]  }
0x2a: {  	p0 =	seq.s32 s5, $0x0;
	s5 =	sld [smem:$0x3F92]  }
0x2b: {  	s6 =	sld [smem:$0x3F93]  }
0x2c: {  	s7 =	sld [smem:$0x3F94]  }
0x2d: {  	s3 =	simm.s32 $0x108;
	s8 =	sld [smem:$0x3F95]  }
0x2e: {  	s3 =	simm.s32 @!p0 $0x1082;
	s9 =	sld [smem:$0x3F96]  }
0x2f: {  	lr =	sadd.s32 s0, s3;
	s0 =	sld [smem:$0x3F8D]  }
0x30: {  	s3 =	sld [smem:$0x3F90]  }
0x31: {  	[smem:$0x3F99] =	sst s10  }
0x32: {  	s10 =	sld [smem:$0x3F97];
	_ =	sdelay $0x3  }
0x33: {  	p0 =	seq.s32 s10, $0x1;
	s10 =	sld [smem:$0x3F99];
	_ =	sdelay $0x3  }
0x34: {  	[smem:$0x3F99] =	sst s10  }
0x35: {  	s10 =	sld [smem:$0x3F98];
	_ =	sdelay $0x3  }
0x36: {  	p1 =	seq.s32 s10, $0x1;
	s10 =	sld [smem:$0x3F99];
	_ =	sdelay $0x3  }
0x37: {  	[smem:$0x3F99] =	sst s10  }
0x38: {  	s10 =	sld [smem:$0x3F9A]  }
0x39: {  	_ = 	snop;
	(pc) =	sbr.ind lr, $3  }
0x3a: {  	_ = 	snop  }
0x3b: {  	_ = 	snop  }
0x3c: {  	p2 =	seq.s32 s10, $0x1;
	s10 =	sld [smem:$0x3F99]  }
0x3d: {  	_ =	shalt  }
0x3e: {  	_ =	shalt  }
0x3f: {  	_ =	shalt  }
0x40: {  	_ =	shalt  }
0x41: {  	_ =	shalt  }
0x42: {  	_ =	shalt  }
0x43: {  	_ =	shalt  }
0x44: {  	_ =	shalt  }
0x45: {  	_ =	shalt  }
0x46: {  	_ =	shalt  }
0x47: {  	_ =	shalt  }
0x48: {  	_ =	shalt  }
0x49: {  	_ =	shalt  }
0x4a: {  	_ =	shalt  }
0x4b: {  	_ =	shalt  }
0x4c: {  	_ =	shalt  }
0x4d: {  	_ =	shalt  }
0x4e: {  	_ =	shalt  }
0x4f: {  	_ =	shalt  }
0x50: {  	_ =	shalt  }
0x51: {  	_ =	shalt  }
0x52: {  	_ =	shalt  }
0x53: {  	_ =	shalt  }
0x54: {  	_ =	shalt  }
0x55: {  	_ =	shalt  }
0x56: {  	_ =	shalt  }
0x57: {  	_ =	shalt  }
0x58: {  	_ =	shalt  }
0x59: {  	_ =	shalt  }
0x5a: {  	_ =	shalt  }
0x5b: {  	_ =	shalt  }
0x5c: {  	_ =	shalt  }
0x5d: {  	_ =	shalt  }
0x5e: {  	_ =	shalt  }
0x5f: {  	_ =	shalt  }
0x60: {  	_ =	shalt  }
0x61: {  	_ =	shalt  }
0x62: {  	_ =	shalt  }
0x63: {  	_ =	shalt  }
0x64: {  	_ =	shalt  }
0x65: {  	_ =	shalt  }
0x66: {  	_ =	shalt  }
0x67: {  	_ =	shalt  }
0x68: {  	_ =	shalt  }
0x69: {  	_ =	shalt  }
0x6a: {  	_ =	shalt  }
0x6b: {  	_ =	shalt  }
0x6c: {  	_ =	shalt  }
0x6d: {  	_ =	shalt  }
0x6e: {  	_ =	shalt  }
0x6f: {  	_ =	shalt  }
0x70: {  	_ =	shalt  }
0x71: {  	_ =	shalt  }
0x72: {  	_ =	shalt  }
0x73: {  	_ =	shalt  }
0x74: {  	_ =	shalt  }
0x75: {  	_ =	shalt  }
0x76: {  	_ =	shalt  }
0x77: {  	_ =	shalt  }
0x78: {  	_ =	shalt  }
0x79: {  	_ =	shalt  }
0x7a: {  	_ =	shalt  }
0x7b: {  	_ =	shalt  }
0x7c: {  	_ =	shalt  }
0x7d: {  	_ =	shalt  }
0x7e: {  	_ =	shalt  }
0x7f: {  	_ =	shalt  }
0x80: {  	_ =	shalt  }
0x81: {  	_ =	shalt  }
0x82: {  	_ =	shalt  }
0x83: {  	_ =	shalt  }
0x84: {  	_ =	shalt  }
0x85: {  	_ =	shalt  }
0x86: {  	_ =	shalt  }
0x87: {  	_ =	shalt  }
.Lfunc_end0:
.L_simem_size_0:
called_computation.1_lowered:
.L_overlay_start_0:
0x88: {  	s2 =	sld [smem:$0x3FD9]  }
0x89: {  	s3 =	sld [smem:$0x3FFE];
	_ =	sdelay $0x1  }
0x8a: {  	s1 =	srdreg.scid  }
0x8b: {  	s0 =	sand.u32 $0x1, s1  }
0x8c: {  	s14 =	sshll.u32 s0, $0xA;
	s2 =	sadd.s32 s3, s2  }
0x8d: {  	s2 =	sadd.s32 s2, s14  }
0x8e: {  	[smem:$0x3FA5] =	sst s2  }
0x8f: {  	_ = 	snop  }
0x90: {  	s2 =	sld [smem:$0x3FD0];
	_ =	sdelay $0x2  }
0x91: {  	s15 =	simm.s32 $0xA;
	s4 =	simm.s32 $0x10  }
0x92: {  	[smem:s4], [sflag:s15] =	dma.local [hbm:s2], $0x1  }
0x93: {  	_ =	swait.eq [sflag:s15], $0x1  }
0x94: {  	[sflag:s15] =	ssyncset.done $0x0  }
0x95: {  	[sflag:s15] =	ssyncadd.s32 $0xFFFFFFFF  }
0x96: {  	s16 =	sld [smem:$0x10];
	(tm) =	ssettm $0x1  }
0x97: {  	s17 =	sld [smem:$0x3FFB];
	_ =	sdelay $0x3  }
0x98: {  	_ =	strace s17  }
0x99: {  	s3 =	sld [smem:$0x3FFC];
	_ =	sdelay $0x3  }
0x9a: {  	_ =	strace s3  }
0x9b: {  	s3 =	sld [smem:$0x3FFD];
	_ =	sdelay $0x3  }
0x9c: {  	_ =	strace s3  }
0x9d: {  	_ =	strace $0x8FFFFFFF  }
0x9e: {  	s18 =	sld [smem:$0x3FDB];
	_ =	sdelay $0x1  }
0x9f: {  	s19 =	simm.s32 $_scs_section_size  }
0xa0: {  	s5 =	simm.s32 $_size__tile_overlayer_lowered;
	s6 =	simm.s32 $_tile_overlayer_lowered  }
0xa1: {  	s22 =	simm.s32 $0x1BFF;
	s21 =	sshll.u32 s6, $0x1;
	s3 =	sadd.s32 s19, s18  }
0xa2: {  	s7 =	simm.s32 $0x0;
	s20 =	sshll.u32 s5, $0x1;
	s5 =	sadd.s32 s21, s3  }
0xa3: {  	[timem:s7], [sflag:s22] =	dma.local [hbm:s5], s20  }
0xa4: {  	_ =	swait.ge [sflag:s22], s20  }
0xa5: {  	s4 =	ssub.s32 $0x0, s20;
	[sflag:s22] =	ssyncset.done $0x0  }
0xa6: {  	[sflag:s22] =	ssyncadd.s32 s4;
	_ =	sdelay $0x1  }
0xa7: {  	s23 =	simm.s32 $0x1B8B  }
0xa8: {  	_ =	swait.ge [sflag:s23], $0x1  }
0xa9: {  	[sflag:s23] =	ssyncset.done $0x0  }
0xaa: {  	s25 =	simm.s32 $0x1B8E;
	s24 =	sld [smem:$0x3FFE];
	[sflag:s23] =	ssyncadd.s32 $0xFFFFFFFF  }
0xab: {  	s26 =	simm.s32 $execute0_lowered;
	[smem:$0x3FD2] =	sst s25  }
0xac: {  	s5 =	sshll.u32 s26, $0x1;
	_ =	strace $0x80000049;
	[dreg:$0x1] =	wrdreg $0xFFFFFFFF  }
0xad: {  	s28 =	simm.s32 $_size_execute0_lowered;
	s3 =	sadd.s32 s3, s5;
	[dreg:$0x0] =	wrdreg $0x0  }
0xae: {  	s5 =	sshll.u32 s28, $0x1;
	[dreg:$0x2] =	wrdreg s3  }
0xaf: {  	[dreg:$0x3] =	wrdreg s5  }
0xb0: {  	[dreg:$0x4] =	wrdreg $0xC0  }
0xb1: {  	_ =	task [dreg:s7], $0x5FFFF  }
0xb2: {  	[dreg:$0x1] =	wrdreg $0xFFFFFFFF  }
0xb3: {  	[dreg:$0x0] =	wrdreg $0x60  }
0xb4: {  	[dreg:$0x2] =	wrdreg s24  }
0xb5: {  	[dreg:$0x3] =	wrdreg s16  }
0xb6: {  	[dreg:$0x4] =	wrdreg $0x9  }
0xb7: {  	_ =	task.clear_ibuf [dreg:s7], $0x5FFFF;
	_ =	strace $0x90000049  }
0xb8: {  	s29 =	simm.s32 $0x9;
	_ =	strace $0x8000004B  }
0xb9: {  	_ =	swait.ge [sflag:s29], $0x1  }
0xba: {  	[sflag:s29] =	ssyncadd.s32 $0xFFFFFFFF  }
0xbb: {  	_ =	strace $0x9000004B  }
0xbc: {  	_ =	sfence  }
0xbd: {  	s30 =	sld [smem:$0x0];
	_ =	sdelay $0x2  }
0xbe: {  	s31 =	sshll.u32 s1, $0xD;
	s1 =	sshrl.u32 s1, $0x2  }
0xbf: {  	s3 =	sand.u32 $0x4000, s31;
	s1 =	sadd.s32 s1, s30  }
0xc0: {  	s0 =	sor.u32 s3, s0;
	s1 =	sshll.u32 s1, $0x11  }
0xc1: {  	s0 =	sor.u32 s1, s0  }
0xc2: {  	s0 =	sadd.s32 $0x8F2B, s0  }
0xc3: {  	[sflag:s0] =	ssyncadd.remote.s32 $0x1  }
0xc4: {  	_ =	sfence.sel $0xFFFF  }
0xc5: {  	[dreg:$0x0] =	wrdreg $0xFFFFFFFF;
	(pc) =	sbr.abs _section_cstart, $3  }
0xc6: {  	[dreg:$0x1] =	wrdreg $0xFFFFFFFF  }
0xc7: {  	_ =	task.clear_ibuf [dreg:s7], $0x2FFFF;
	_ =	strace $0x9FFFFFFF  }
0xc8: {  	(tm) =	ssettm $0x7FFFFFFF  }
0xc9: {  	_ =	shalt  }
tec
execute0_lowered:
.L_overlay_start_1:
0x0: {  	(tag) =	ssettag $0x1  }
0x1: {  	s0 =	rddreg [dreg:$0x0]  }
0x2: {  	s1 =	srdreg.scid;
	s3 =	rddreg [dreg:$0x1]  }
0x3: {  	s2 =	simm.s32 $0x0;
	s6 =	stileid.u32;
	s15 =	simm.s32 $0x2  }
0x4: {  	s17 =	simm.s32 $0x1200;
	s18 =	simm.s32 $0x1A00;
	s19 =	simm.s32 $0x2200  }
0x5: {  	s20 =	simm.s32 $0x2A00;
	s28 =	simm.s32 $0x5A00;
	s29 =	simm.s32 $0x6200  }
0x6: {  	s30 =	simm.s32 $0x6A00;
	s31 =	simm.s32 $0x7200;
	s14 =	simm.s32 $0x8200  }
0x7: {  	s8 =	simm.s32 $0x9200;
	s9 =	simm.s32 $0x9A00;
	s10 =	simm.s32 $0xA200  }
0x8: {  	s12 =	simm.s32 $0xB200;
	s13 =	simm.s32 $0xBA00;
	s1 =	sand.u32 $0x1, s1  }
0x9: {  	s5 =	sshll.u32 s6, $0x7;
	s6 =	sshll.u32 s6, $0xF;
	[smem:$0x7FF] =	sst s2  }
0xa: {  	s4 =	sshll.u32 s1, $0x6;
	s7 =	sshll.u32 s1, $0xE;
	_ =	strace $0x8000004A  }
0xb: {  	s1 =	ssub.s32 $0x2, s1;
	s4 =	sadd.s32 s4, s0;
	s21 =	sor.u32 s7, s6  }
0xc: {  	s24 =	sshrl.u32 s1, $0x1;
	s6 =	simm.s32 $0x3;
	s7 =	simm.s32 $0xC200  }
0xd: {  	s4 =	sadd.s32 s5, s4;
	s3 =	sadd.s32 s3, s21;
	s26 =	ssub.s32 s1, s24  }
0xe: {  	s1 =	simm.s32 $0x1;
	s4 =	sadd.s32 $0x27A00, s4;
	[dreg:$0x7] =	wrdreg s3  }
0xf: {  	s21 =	simm.s32 $0x3200;
	s22 =	sadd.s32 $0x1000, s3;
	[dreg:$0x3] =	wrdreg s4  }
0x10: {  	s24 =	simm.s32 $0x4200;
	s23 =	sadd.s32 $0x2000, s3;
	[dreg:$0x4] =	wrdreg s22  }
0x11: {  	v2 =	vlaneseq.u32;
	s25 =	sadd.s32 $0x3000, s3;
	s5 =	smax.u32 s26, $0x1;
	[dreg:$0x5] =	wrdreg s23  }
0x12: {  	vm0 =	vmmov $0xffff;
	v1 =	vshrl.u32 v2, $0x3;
	s26 =	simm.s32 $0x5200;
	s4 =	sadd.s32 $0x3A00, s0;
	[dreg:$0x6] =	wrdreg s25  }
0x13: {  	v0 =	vand.u32 $0x7, v2;
	v2 =	vor.u32 $0x8, v2;
	v1 =	vmul.u32 $0x8, v1;
	s22 =	simm.s32 $0x3A00;
	s25 =	simm.s32 $0x4A00;
	s23 =	simm.s32 $0x200  }
.LBB2_1:
0x14: {  	s16 =	rddreg [dreg:$0x3]  }
0x15: {  	[tilespmem:s2], [sflag:$0x3] =	stream.linear.gather [hbm4b:s16+s2], $0x200, $0x38;
	[tilespmem:$0x10200] =	vst v63  }
0x16: {  	_ =	swait.ge [sflag:s6], $0x200  }
0x17: {  	[sflag:s6] =	ssyncset.done $0x0  }
0x18: {  	[sflag:s6] =	ssyncadd.s32 $0xFFFFFE00  }
0x19: {  	v3 =	vld [tilespmem:$0x0];
	_ =	sdelay $0x4  }
0x1a: {  	v4 =	vshll.u32 v3, $0x1  }
0x1b: {  	v3 =	vand.u32 $0x7, v3;
	v4 =	vand.u32 $0xFFFFFFF0, v4  }
0x1c: {  	v3 =	vor.u32 v3, v4  }
0x1d: {  	v4 =	vperm.xlane v3, v0;
	_ =	sdelay $0x1  }
0x1e: {  	v3 =	vperm.xlane v3, v2;
	v4 =	vadd.s32 v1, v4;
	_ =	sdelay $0x1  }
0x1f: {  	v3 =	vadd.s32 v1, v3;
	_ =	sdelay $0x1  }
0x20: {  	s0 =	simm.s32 $0x200  }
0x21: {  	[tilespmem:s0], [sflag:$0x1] =	stream.indirect_vreg.gather [hbm4b:s4+s2], $0x80, v4, vm0, $0xb8;
	[tilespmem:$0x10200] =	vst v63  }
0x22: {  	s16 =	simm.s32 $0xA00  }
0x23: {  	[tilespmem:s16], [sflag:$0x1] =	stream.indirect_vreg.gather [hbm4b:s4+s2], $0x80, v3, vm0, $0xb8;
	[tilespmem:$0x10200] =	vst v63  }
0x24: {  	v3 =	vld [tilespmem:$0x10];
	_ =	sdelay $0x4  }
0x25: {  	v33 =	vshll.u32 v3, $0x1  }
0x26: {  	v3 =	vand.u32 $0x7, v3;
	v4 =	vand.u32 $0xFFFFFFF0, v33  }
0x27: {  	v3 =	vor.u32 v3, v4  }
0x28: {  	v4 =	vperm.xlane v3, v0;
	_ =	sdelay $0x1  }
0x29: {  	v3 =	vperm.xlane v3, v2;
	v4 =	vadd.s32 v1, v4;
	_ =	sdelay $0x1  }
0x2a: {  	v3 =	vadd.s32 v1, v3;
	_ =	sdelay $0x2  }
0x2b: {  	[tilespmem:s17], [sflag:$0x1] =	stream.indirect_vreg.gather [hbm4b:s4+s2], $0x80, v4, vm0, $0xb8;
	[tilespmem:$0x10200] =	vst v63  }
0x2c: {  	_ = 	snop  }
0x2d: {  	[tilespmem:s18], [sflag:$0x1] =	stream.indirect_vreg.gather [hbm4b:s4+s2], $0x80, v3, vm0, $0xb8;
	[tilespmem:$0x10200] =	vst v63  }
0x2e: {  	v3 =	vld [tilespmem:$0x20];
	_ =	sdelay $0x4  }
0x2f: {  	v34 =	vshll.u32 v3, $0x1  }
0x30: {  	v3 =	vand.u32 $0x7, v3;
	v4 =	vand.u32 $0xFFFFFFF0, v34  }
0x31: {  	v3 =	vor.u32 v3, v4  }
0x32: {  	v4 =	vperm.xlane v3, v0;
	_ =	sdelay $0x1  }
0x33: {  	v3 =	vperm.xlane v3, v2;
	v4 =	vadd.s32 v1, v4;
	_ =	sdelay $0x1  }
0x34: {  	v3 =	vadd.s32 v1, v3;
	_ =	sdelay $0x2  }
0x35: {  	[tilespmem:s19], [sflag:$0x1] =	stream.indirect_vreg.gather [hbm4b:s4+s2], $0x80, v4, vm0, $0xb8;
	[tilespmem:$0x10200] =	vst v63  }
0x36: {  	_ = 	snop  }
0x37: {  	[tilespmem:s20], [sflag:$0x1] =	stream.indirect_vreg.gather [hbm4b:s4+s2], $0x80, v3, vm0, $0xb8;
	[tilespmem:$0x10200] =	vst v63  }
0x38: {  	v3 =	vld [tilespmem:$0x30];
	_ =	sdelay $0x4  }
0x39: {  	v35 =	vshll.u32 v3, $0x1  }
0x3a: {  	v3 =	vand.u32 $0x7, v3;
	v4 =	vand.u32 $0xFFFFFFF0, v35  }
0x3b: {  	v3 =	vor.u32 v3, v4  }
0x3c: {  	v4 =	vperm.xlane v3, v0;
	_ =	sdelay $0x1  }
0x3d: {  	v3 =	vperm.xlane v3, v2;
	v4 =	vadd.s32 v1, v4;
	_ =	sdelay $0x1  }
0x3e: {  	v3 =	vadd.s32 v1, v3;
	_ =	sdelay $0x2  }
0x3f: {  	[tilespmem:s21], [sflag:$0x1] =	stream.indirect_vreg.gather [hbm4b:s4+s2], $0x80, v4, vm0, $0xb8;
	[tilespmem:$0x10200] =	vst v63  }
0x40: {  	_ = 	snop  }
0x41: {  	[tilespmem:s22], [sflag:$0x1] =	stream.indirect_vreg.gather [hbm4b:s4+s2], $0x80, v3, vm0, $0xb8;
	[tilespmem:$0x10200] =	vst v63  }
0x42: {  	v3 =	vld [tilespmem:$0x40];
	_ =	sdelay $0x4  }
0x43: {  	v36 =	vshll.u32 v3, $0x1  }
0x44: {  	v3 =	vand.u32 $0x7, v3;
	v4 =	vand.u32 $0xFFFFFFF0, v36  }
0x45: {  	v3 =	vor.u32 v3, v4  }
0x46: {  	v4 =	vperm.xlane v3, v0;
	_ =	sdelay $0x1  }
0x47: {  	v3 =	vperm.xlane v3, v2;
	v4 =	vadd.s32 v1, v4;
	_ =	sdelay $0x1  }
0x48: {  	v3 =	vadd.s32 v1, v3;
	_ =	sdelay $0x2  }
0x49: {  	[tilespmem:s24], [sflag:$0x1] =	stream.indirect_vreg.gather [hbm4b:s4+s2], $0x80, v4, vm0, $0xb8;
	[tilespmem:$0x10200] =	vst v63  }
0x4a: {  	_ = 	snop  }
0x4b: {  	[tilespmem:s25], [sflag:$0x1] =	stream.indirect_vreg.gather [hbm4b:s4+s2], $0x80, v3, vm0, $0xb8;
	[tilespmem:$0x10200] =	vst v63  }
0x4c: {  	v3 =	vld [tilespmem:$0x50];
	_ =	sdelay $0x4  }
0x4d: {  	v37 =	vshll.u32 v3, $0x1  }
0x4e: {  	v3 =	vand.u32 $0x7, v3;
	v4 =	vand.u32 $0xFFFFFFF0, v37  }
0x4f: {  	v3 =	vor.u32 v3, v4  }
0x50: {  	v4 =	vperm.xlane v3, v0;
	_ =	sdelay $0x1  }
0x51: {  	v3 =	vperm.xlane v3, v2;
	v4 =	vadd.s32 v1, v4;
	_ =	sdelay $0x1  }
0x52: {  	v3 =	vadd.s32 v1, v3;
	_ =	sdelay $0x2  }
0x53: {  	[tilespmem:s26], [sflag:$0x1] =	stream.indirect_vreg.gather [hbm4b:s4+s2], $0x80, v4, vm0, $0xb8;
	[tilespmem:$0x10200] =	vst v63  }
0x54: {  	_ = 	snop  }
0x55: {  	[tilespmem:s28], [sflag:$0x1] =	stream.indirect_vreg.gather [hbm4b:s4+s2], $0x80, v3, vm0, $0xb8;
	[tilespmem:$0x10200] =	vst v63  }
0x56: {  	v3 =	vld [tilespmem:$0x60];
	_ =	sdelay $0x4  }
0x57: {  	v38 =	vshll.u32 v3, $0x1  }
0x58: {  	v3 =	vand.u32 $0x7, v3;
	v4 =	vand.u32 $0xFFFFFFF0, v38  }
0x59: {  	v3 =	vor.u32 v3, v4  }
0x5a: {  	v4 =	vperm.xlane v3, v0;
	_ =	sdelay $0x1  }
0x5b: {  	v3 =	vperm.xlane v3, v2;
	v4 =	vadd.s32 v1, v4;
	_ =	sdelay $0x1  }
0x5c: {  	v3 =	vadd.s32 v1, v3;
	_ =	sdelay $0x2  }
0x5d: {  	[tilespmem:s29], [sflag:$0x1] =	stream.indirect_vreg.gather [hbm4b:s4+s2], $0x80, v4, vm0, $0xb8;
	[tilespmem:$0x10200] =	vst v63  }
0x5e: {  	_ = 	snop  }
0x5f: {  	[tilespmem:s30], [sflag:$0x1] =	stream.indirect_vreg.gather [hbm4b:s4+s2], $0x80, v3, vm0, $0xb8;
	[tilespmem:$0x10200] =	vst v63  }
0x60: {  	v3 =	vld [tilespmem:$0x70];
	_ =	sdelay $0x4  }
0x61: {  	v39 =	vshll.u32 v3, $0x1  }
0x62: {  	v3 =	vand.u32 $0x7, v3;
	v4 =	vand.u32 $0xFFFFFFF0, v39  }
0x63: {  	v3 =	vor.u32 v3, v4  }
0x64: {  	v4 =	vperm.xlane v3, v0;
	_ =	sdelay $0x1  }
0x65: {  	v3 =	vperm.xlane v3, v2;
	v4 =	vadd.s32 v1, v4;
	_ =	sdelay $0x1  }
0x66: {  	v3 =	vadd.s32 v1, v3;
	_ =	sdelay $0x2  }
0x67: {  	[tilespmem:s31], [sflag:$0x1] =	stream.indirect_vreg.gather [hbm4b:s4+s2], $0x80, v4, vm0, $0xb8;
	[tilespmem:$0x10200] =	vst v63  }
0x68: {  	s0 =	simm.s32 $0x7A00  }
0x69: {  	[tilespmem:s0], [sflag:$0x1] =	stream.indirect_vreg.gather [hbm4b:s4+s2], $0x80, v3, vm0, $0xb8;
	[tilespmem:$0x10200] =	vst v63  }
0x6a: {  	v3 =	vld [tilespmem:$0x80];
	_ =	sdelay $0x4  }
0x6b: {  	v40 =	vshll.u32 v3, $0x1  }
0x6c: {  	v3 =	vand.u32 $0x7, v3;
	v4 =	vand.u32 $0xFFFFFFF0, v40  }
0x6d: {  	v3 =	vor.u32 v3, v4  }
0x6e: {  	v4 =	vperm.xlane v3, v0;
	_ =	sdelay $0x1  }
0x6f: {  	v3 =	vperm.xlane v3, v2;
	v4 =	vadd.s32 v1, v4;
	_ =	sdelay $0x1  }
0x70: {  	v3 =	vadd.s32 v1, v3;
	_ =	sdelay $0x2  }
0x71: {  	[tilespmem:s14], [sflag:$0x2] =	stream.indirect_vreg.gather [hbm4b:s4+s2], $0x80, v4, vm0, $0xb8;
	[tilespmem:$0x10200] =	vst v63  }
0x72: {  	s3 =	simm.s32 $0x8A00  }
0x73: {  	[tilespmem:s3], [sflag:$0x2] =	stream.indirect_vreg.gather [hbm4b:s4+s2], $0x80, v3, vm0, $0xb8;
	[tilespmem:$0x10200] =	vst v63  }
0x74: {  	v3 =	vld [tilespmem:$0x90];
	_ =	sdelay $0x4  }
0x75: {  	v41 =	vshll.u32 v3, $0x1  }
0x76: {  	v3 =	vand.u32 $0x7, v3;
	v4 =	vand.u32 $0xFFFFFFF0, v41  }
0x77: {  	v3 =	vor.u32 v3, v4  }
0x78: {  	v4 =	vperm.xlane v3, v0;
	_ =	sdelay $0x1  }
0x79: {  	v3 =	vperm.xlane v3, v2;
	v4 =	vadd.s32 v1, v4;
	_ =	sdelay $0x1  }
0x7a: {  	v3 =	vadd.s32 v1, v3;
	_ =	sdelay $0x2  }
0x7b: {  	[tilespmem:s8], [sflag:$0x2] =	stream.indirect_vreg.gather [hbm4b:s4+s2], $0x80, v4, vm0, $0xb8;
	[tilespmem:$0x10200] =	vst v63  }
0x7c: {  	_ = 	snop  }
0x7d: {  	[tilespmem:s9], [sflag:$0x2] =	stream.indirect_vreg.gather [hbm4b:s4+s2], $0x80, v3, vm0, $0xb8;
	[tilespmem:$0x10200] =	vst v63  }
0x7e: {  	v3 =	vld [tilespmem:$0xA0];
	_ =	sdelay $0x4  }
0x7f: {  	v42 =	vshll.u32 v3, $0x1  }
0x80: {  	v3 =	vand.u32 $0x7, v3;
	v4 =	vand.u32 $0xFFFFFFF0, v42  }
0x81: {  	v3 =	vor.u32 v3, v4  }
0x82: {  	v4 =	vperm.xlane v3, v0;
	_ =	sdelay $0x1  }
0x83: {  	v3 =	vperm.xlane v3, v2;
	v4 =	vadd.s32 v1, v4;
	_ =	sdelay $0x1  }
0x84: {  	v3 =	vadd.s32 v1, v3;
	_ =	sdelay $0x2  }
0x85: {  	[tilespmem:s10], [sflag:$0x2] =	stream.indirect_vreg.gather [hbm4b:s4+s2], $0x80, v4, vm0, $0xb8;
	[tilespmem:$0x10200] =	vst v63  }
0x86: {  	s3 =	simm.s32 $0xAA00  }
0x87: {  	[tilespmem:s3], [sflag:$0x2] =	stream.indirect_vreg.gather [hbm4b:s4+s2], $0x80, v3, vm0, $0xb8;
	[tilespmem:$0x10200] =	vst v63  }
0x88: {  	v3 =	vld [tilespmem:$0xB0];
	_ =	sdelay $0x4  }
0x89: {  	v43 =	vshll.u32 v3, $0x1  }
0x8a: {  	v3 =	vand.u32 $0x7, v3;
	v4 =	vand.u32 $0xFFFFFFF0, v43  }
0x8b: {  	v3 =	vor.u32 v3, v4  }
0x8c: {  	v4 =	vperm.xlane v3, v0;
	_ =	sdelay $0x1  }
0x8d: {  	v3 =	vperm.xlane v3, v2;
	v4 =	vadd.s32 v1, v4;
	_ =	sdelay $0x1  }
0x8e: {  	v3 =	vadd.s32 v1, v3;
	_ =	sdelay $0x2  }
0x8f: {  	[tilespmem:s12], [sflag:$0x2] =	stream.indirect_vreg.gather [hbm4b:s4+s2], $0x80, v4, vm0, $0xb8;
	[tilespmem:$0x10200] =	vst v63  }
0x90: {  	_ = 	snop  }
0x91: {  	[tilespmem:s13], [sflag:$0x2] =	stream.indirect_vreg.gather [hbm4b:s4+s2], $0x80, v3, vm0, $0xb8;
	[tilespmem:$0x10200] =	vst v63  }
0x92: {  	v3 =	vld [tilespmem:$0xC0];
	_ =	sdelay $0x4  }
0x93: {  	v44 =	vshll.u32 v3, $0x1  }
0x94: {  	v3 =	vand.u32 $0x7, v3;
	v4 =	vand.u32 $0xFFFFFFF0, v44  }
0x95: {  	v3 =	vor.u32 v3, v4  }
0x96: {  	v4 =	vperm.xlane v3, v0;
	_ =	sdelay $0x1  }
0x97: {  	v3 =	vperm.xlane v3, v2;
	v4 =	vadd.s32 v1, v4;
	_ =	sdelay $0x1  }
0x98: {  	v3 =	vadd.s32 v1, v3;
	_ =	sdelay $0x2  }
0x99: {  	[tilespmem:s7], [sflag:$0x2] =	stream.indirect_vreg.gather [hbm4b:s4+s2], $0x80, v4, vm0, $0xb8;
	[tilespmem:$0x10200] =	vst v63  }
0x9a: {  	s11 =	simm.s32 $0xCA00  }
0x9b: {  	[tilespmem:s11], [sflag:$0x2] =	stream.indirect_vreg.gather [hbm4b:s4+s2], $0x80, v3, vm0, $0xb8;
	[tilespmem:$0x10200] =	vst v63  }
0x9c: {  	v3 =	vld [tilespmem:$0xD0];
	_ =	sdelay $0x4  }
0x9d: {  	v45 =	vshll.u32 v3, $0x1  }
0x9e: {  	v3 =	vand.u32 $0x7, v3;
	v4 =	vand.u32 $0xFFFFFFF0, v45  }
0x9f: {  	v3 =	vor.u32 v3, v4  }
0xa0: {  	v4 =	vperm.xlane v3, v0;
	_ =	sdelay $0x1  }
0xa1: {  	v3 =	vperm.xlane v3, v2;
	v4 =	vadd.s32 v1, v4;
	_ =	sdelay $0x1  }
0xa2: {  	v3 =	vadd.s32 v1, v3;
	_ =	sdelay $0x1  }
0xa3: {  	s11 =	simm.s32 $0xD200  }
0xa4: {  	[tilespmem:s11], [sflag:$0x2] =	stream.indirect_vreg.gather [hbm4b:s4+s2], $0x80, v4, vm0, $0xb8;
	[tilespmem:$0x10200] =	vst v63  }
0xa5: {  	s11 =	simm.s32 $0xDA00  }
0xa6: {  	[tilespmem:s11], [sflag:$0x2] =	stream.indirect_vreg.gather [hbm4b:s4+s2], $0x80, v3, vm0, $0xb8;
	[tilespmem:$0x10200] =	vst v63  }
0xa7: {  	v3 =	vld [tilespmem:$0xE0];
	_ =	sdelay $0x4  }
0xa8: {  	v46 =	vshll.u32 v3, $0x1  }
0xa9: {  	v3 =	vand.u32 $0x7, v3;
	v4 =	vand.u32 $0xFFFFFFF0, v46  }
0xaa: {  	v3 =	vor.u32 v3, v4  }
0xab: {  	v4 =	vperm.xlane v3, v0;
	_ =	sdelay $0x1  }
0xac: {  	v3 =	vperm.xlane v3, v2;
	v4 =	vadd.s32 v1, v4;
	_ =	sdelay $0x1  }
0xad: {  	v3 =	vadd.s32 v1, v3;
	_ =	sdelay $0x1  }
0xae: {  	s11 =	simm.s32 $0xE200  }
0xaf: {  	[tilespmem:s11], [sflag:$0x2] =	stream.indirect_vreg.gather [hbm4b:s4+s2], $0x80, v4, vm0, $0xb8;
	[tilespmem:$0x10200] =	vst v63  }
0xb0: {  	s11 =	simm.s32 $0xEA00  }
0xb1: {  	[tilespmem:s11], [sflag:$0x2] =	stream.indirect_vreg.gather [hbm4b:s4+s2], $0x80, v3, vm0, $0xb8;
	[tilespmem:$0x10200] =	vst v63  }
0xb2: {  	v3 =	vld [tilespmem:$0xF0];
	_ =	sdelay $0x4  }
0xb3: {  	v47 =	vshll.u32 v3, $0x1  }
0xb4: {  	v3 =	vand.u32 $0x7, v3;
	v4 =	vand.u32 $0xFFFFFFF0, v47  }
0xb5: {  	v3 =	vor.u32 v3, v4  }
0xb6: {  	v4 =	vperm.xlane v3, v0;
	_ =	sdelay $0x1  }
0xb7: {  	v3 =	vperm.xlane v3, v2;
	v4 =	vadd.s32 v1, v4;
	_ =	sdelay $0x1  }
0xb8: {  	v3 =	vadd.s32 v1, v3;
	_ =	sdelay $0x1  }
0xb9: {  	s11 =	simm.s32 $0xF200  }
0xba: {  	[tilespmem:s11], [sflag:$0x2] =	stream.indirect_vreg.gather [hbm4b:s4+s2], $0x80, v4, vm0, $0xb8;
	[tilespmem:$0x10200] =	vst v63  }
0xbb: {  	s11 =	simm.s32 $0xFA00  }
0xbc: {  	[tilespmem:s11], [sflag:$0x2] =	stream.indirect_vreg.gather [hbm4b:s4+s2], $0x80, v3, vm0, $0xb8;
	[tilespmem:$0x10200] =	vst v63  }
0xbd: {  	_ =	swait.ge [sflag:s1], $0x8000  }
0xbe: {  	[sflag:s1] =	ssyncset.done $0x0  }
0xbf: {  	s11 =	rddreg [dreg:$0x7];
	[sflag:s1] =	ssyncadd.s32 $0xFFFF8000  }
0xc0: {  	[hbm4b:s11+s2] =	stream.linear.scatter [tilespmem:s23], [sflag:$0x3], $0x8000, $0x38;
	[tilespmem:$0x10200] =	vst v63  }
0xc1: {  	_ =	swait.ge [sflag:s6], $0x8000  }
0xc2: {  	[sflag:s6] =	ssyncset.done $0x0  }
0xc3: {  	[sflag:s6] =	ssyncadd.s32 $0xFFFF8000  }
0xc4: {  	v3 =	vld [tilespmem:$0x100];
	_ =	sdelay $0x4  }
0xc5: {  	v48 =	vshll.u32 v3, $0x1  }
0xc6: {  	v3 =	vand.u32 $0x7, v3;
	v4 =	vand.u32 $0xFFFFFFF0, v48  }
0xc7: {  	v3 =	vor.u32 v3, v4  }
0xc8: {  	v4 =	vperm.xlane v3, v0;
	_ =	sdelay $0x1  }
0xc9: {  	v3 =	vperm.xlane v3, v2;
	v4 =	vadd.s32 v1, v4;
	_ =	sdelay $0x1  }
0xca: {  	v3 =	vadd.s32 v1, v3;
	_ =	sdelay $0x2  }
0xcb: {  	[tilespmem:s23], [sflag:$0x1] =	stream.indirect_vreg.gather [hbm4b:s4+s2], $0x80, v4, vm0, $0xb8;
	[tilespmem:$0x10200] =	vst v63  }
0xcc: {  	_ = 	snop  }
0xcd: {  	[tilespmem:s16], [sflag:$0x1] =	stream.indirect_vreg.gather [hbm4b:s4+s2], $0x80, v3, vm0, $0xb8;
	[tilespmem:$0x10200] =	vst v63  }
0xce: {  	v3 =	vld [tilespmem:$0x110];
	_ =	sdelay $0x4  }
0xcf: {  	v49 =	vshll.u32 v3, $0x1  }
0xd0: {  	v3 =	vand.u32 $0x7, v3;
	v4 =	vand.u32 $0xFFFFFFF0, v49  }
0xd1: {  	v3 =	vor.u32 v3, v4  }
0xd2: {  	v4 =	vperm.xlane v3, v0;
	_ =	sdelay $0x1  }
0xd3: {  	v3 =	vperm.xlane v3, v2;
	v4 =	vadd.s32 v1, v4;
	_ =	sdelay $0x1  }
0xd4: {  	v3 =	vadd.s32 v1, v3;
	_ =	sdelay $0x2  }
0xd5: {  	[tilespmem:s17], [sflag:$0x1] =	stream.indirect_vreg.gather [hbm4b:s4+s2], $0x80, v4, vm0, $0xb8;
	[tilespmem:$0x10200] =	vst v63  }
0xd6: {  	_ = 	snop  }
0xd7: {  	[tilespmem:s18], [sflag:$0x1] =	stream.indirect_vreg.gather [hbm4b:s4+s2], $0x80, v3, vm0, $0xb8;
	[tilespmem:$0x10200] =	vst v63  }
0xd8: {  	v3 =	vld [tilespmem:$0x120];
	_ =	sdelay $0x4  }
0xd9: {  	v50 =	vshll.u32 v3, $0x1  }
0xda: {  	v3 =	vand.u32 $0x7, v3;
	v4 =	vand.u32 $0xFFFFFFF0, v50  }
0xdb: {  	v3 =	vor.u32 v3, v4  }
0xdc: {  	v4 =	vperm.xlane v3, v0;
	_ =	sdelay $0x1  }
0xdd: {  	v3 =	vperm.xlane v3, v2;
	v4 =	vadd.s32 v1, v4;
	_ =	sdelay $0x1  }
0xde: {  	v3 =	vadd.s32 v1, v3;
	_ =	sdelay $0x2  }
0xdf: {  	[tilespmem:s19], [sflag:$0x1] =	stream.indirect_vreg.gather [hbm4b:s4+s2], $0x80, v4, vm0, $0xb8;
	[tilespmem:$0x10200] =	vst v63  }
0xe0: {  	_ = 	snop  }
0xe1: {  	[tilespmem:s20], [sflag:$0x1] =	stream.indirect_vreg.gather [hbm4b:s4+s2], $0x80, v3, vm0, $0xb8;
	[tilespmem:$0x10200] =	vst v63  }
0xe2: {  	v3 =	vld [tilespmem:$0x130];
	_ =	sdelay $0x4  }
0xe3: {  	v51 =	vshll.u32 v3, $0x1  }
0xe4: {  	v3 =	vand.u32 $0x7, v3;
	v4 =	vand.u32 $0xFFFFFFF0, v51  }
0xe5: {  	v3 =	vor.u32 v3, v4  }
0xe6: {  	v4 =	vperm.xlane v3, v0;
	_ =	sdelay $0x1  }
0xe7: {  	v3 =	vperm.xlane v3, v2;
	v4 =	vadd.s32 v1, v4;
	_ =	sdelay $0x1  }
0xe8: {  	v3 =	vadd.s32 v1, v3;
	_ =	sdelay $0x2  }
0xe9: {  	[tilespmem:s21], [sflag:$0x1] =	stream.indirect_vreg.gather [hbm4b:s4+s2], $0x80, v4, vm0, $0xb8;
	[tilespmem:$0x10200] =	vst v63  }
0xea: {  	_ = 	snop  }
0xeb: {  	[tilespmem:s22], [sflag:$0x1] =	stream.indirect_vreg.gather [hbm4b:s4+s2], $0x80, v3, vm0, $0xb8;
	[tilespmem:$0x10200] =	vst v63  }
0xec: {  	v3 =	vld [tilespmem:$0x140];
	_ =	sdelay $0x4  }
0xed: {  	v52 =	vshll.u32 v3, $0x1  }
0xee: {  	v3 =	vand.u32 $0x7, v3;
	v4 =	vand.u32 $0xFFFFFFF0, v52  }
0xef: {  	v3 =	vor.u32 v3, v4  }
0xf0: {  	v4 =	vperm.xlane v3, v0;
	_ =	sdelay $0x1  }
0xf1: {  	v3 =	vperm.xlane v3, v2;
	v4 =	vadd.s32 v1, v4;
	_ =	sdelay $0x1  }
0xf2: {  	v3 =	vadd.s32 v1, v3;
	_ =	sdelay $0x2  }
0xf3: {  	[tilespmem:s24], [sflag:$0x1] =	stream.indirect_vreg.gather [hbm4b:s4+s2], $0x80, v4, vm0, $0xb8;
	[tilespmem:$0x10200] =	vst v63  }
0xf4: {  	_ = 	snop  }
0xf5: {  	[tilespmem:s25], [sflag:$0x1] =	stream.indirect_vreg.gather [hbm4b:s4+s2], $0x80, v3, vm0, $0xb8;
	[tilespmem:$0x10200] =	vst v63  }
0xf6: {  	v3 =	vld [tilespmem:$0x150];
	_ =	sdelay $0x4  }
0xf7: {  	v53 =	vshll.u32 v3, $0x1  }
0xf8: {  	v3 =	vand.u32 $0x7, v3;
	v4 =	vand.u32 $0xFFFFFFF0, v53  }
0xf9: {  	v3 =	vor.u32 v3, v4  }
0xfa: {  	v4 =	vperm.xlane v3, v0;
	_ =	sdelay $0x1  }
0xfb: {  	v3 =	vperm.xlane v3, v2;
	v4 =	vadd.s32 v1, v4;
	_ =	sdelay $0x1  }
0xfc: {  	v3 =	vadd.s32 v1, v3;
	_ =	sdelay $0x2  }
0xfd: {  	[tilespmem:s26], [sflag:$0x1] =	stream.indirect_vreg.gather [hbm4b:s4+s2], $0x80, v4, vm0, $0xb8;
	[tilespmem:$0x10200] =	vst v63  }
0xfe: {  	_ = 	snop  }
0xff: {  	[tilespmem:s28], [sflag:$0x1] =	stream.indirect_vreg.gather [hbm4b:s4+s2], $0x80, v3, vm0, $0xb8;
	[tilespmem:$0x10200] =	vst v63  }
0x100: {  	v3 =	vld [tilespmem:$0x160];
	_ =	sdelay $0x4  }
0x101: {  	v54 =	vshll.u32 v3, $0x1  }
0x102: {  	v3 =	vand.u32 $0x7, v3;
	v4 =	vand.u32 $0xFFFFFFF0, v54  }
0x103: {  	v3 =	vor.u32 v3, v4  }
0x104: {  	v4 =	vperm.xlane v3, v0;
	_ =	sdelay $0x1  }
0x105: {  	v3 =	vperm.xlane v3, v2;
	v4 =	vadd.s32 v1, v4;
	_ =	sdelay $0x1  }
0x106: {  	v3 =	vadd.s32 v1, v3;
	_ =	sdelay $0x2  }
0x107: {  	[tilespmem:s29], [sflag:$0x1] =	stream.indirect_vreg.gather [hbm4b:s4+s2], $0x80, v4, vm0, $0xb8;
	[tilespmem:$0x10200] =	vst v63  }
0x108: {  	_ = 	snop  }
0x109: {  	[tilespmem:s30], [sflag:$0x1] =	stream.indirect_vreg.gather [hbm4b:s4+s2], $0x80, v3, vm0, $0xb8;
	[tilespmem:$0x10200] =	vst v63  }
0x10a: {  	v3 =	vld [tilespmem:$0x170];
	_ =	sdelay $0x4  }
0x10b: {  	v55 =	vshll.u32 v3, $0x1  }
0x10c: {  	v3 =	vand.u32 $0x7, v3;
	v4 =	vand.u32 $0xFFFFFFF0, v55  }
0x10d: {  	v3 =	vor.u32 v3, v4  }
0x10e: {  	v4 =	vperm.xlane v3, v0;
	_ =	sdelay $0x1  }
0x10f: {  	v3 =	vperm.xlane v3, v2;
	v4 =	vadd.s32 v1, v4;
	_ =	sdelay $0x1  }
0x110: {  	v3 =	vadd.s32 v1, v3;
	_ =	sdelay $0x2  }
0x111: {  	[tilespmem:s31], [sflag:$0x1] =	stream.indirect_vreg.gather [hbm4b:s4+s2], $0x80, v4, vm0, $0xb8;
	[tilespmem:$0x10200] =	vst v63  }
0x112: {  	_ = 	snop  }
0x113: {  	[tilespmem:s0], [sflag:$0x1] =	stream.indirect_vreg.gather [hbm4b:s4+s2], $0x80, v3, vm0, $0xb8;
	[tilespmem:$0x10200] =	vst v63  }
0x114: {  	_ =	swait.ge [sflag:s15], $0x8000  }
0x115: {  	[sflag:s15] =	ssyncset.done $0x0  }
0x116: {  	s0 =	rddreg [dreg:$0x4];
	[sflag:s15] =	ssyncadd.s32 $0xFFFF8000  }
0x117: {  	[hbm4b:s0+s2] =	stream.linear.scatter [tilespmem:s14], [sflag:$0x3], $0x8000, $0x38;
	[tilespmem:$0x10200] =	vst v63  }
0x118: {  	_ =	swait.ge [sflag:s6], $0x8000  }
0x119: {  	[sflag:s6] =	ssyncset.done $0x0  }
0x11a: {  	[sflag:s6] =	ssyncadd.s32 $0xFFFF8000  }
0x11b: {  	v3 =	vld [tilespmem:$0x180];
	_ =	sdelay $0x4  }
0x11c: {  	v56 =	vshll.u32 v3, $0x1  }
0x11d: {  	v3 =	vand.u32 $0x7, v3;
	v4 =	vand.u32 $0xFFFFFFF0, v56  }
0x11e: {  	v3 =	vor.u32 v3, v4  }
0x11f: {  	v4 =	vperm.xlane v3, v0;
	_ =	sdelay $0x1  }
0x120: {  	v3 =	vperm.xlane v3, v2;
	v4 =	vadd.s32 v1, v4;
	_ =	sdelay $0x1  }
0x121: {  	v3 =	vadd.s32 v1, v3;
	_ =	sdelay $0x2  }
0x122: {  	[tilespmem:s14], [sflag:$0x2] =	stream.indirect_vreg.gather [hbm4b:s4+s2], $0x80, v4, vm0, $0xb8;
	[tilespmem:$0x10200] =	vst v63  }
0x123: {  	s16 =	simm.s32 $0x8A00  }
0x124: {  	[tilespmem:s16], [sflag:$0x2] =	stream.indirect_vreg.gather [hbm4b:s4+s2], $0x80, v3, vm0, $0xb8;
	[tilespmem:$0x10200] =	vst v63  }
0x125: {  	v3 =	vld [tilespmem:$0x190];
	_ =	sdelay $0x4  }
0x126: {  	v57 =	vshll.u32 v3, $0x1  }
0x127: {  	v3 =	vand.u32 $0x7, v3;
	v4 =	vand.u32 $0xFFFFFFF0, v57  }
0x128: {  	v3 =	vor.u32 v3, v4  }
0x129: {  	v4 =	vperm.xlane v3, v0;
	_ =	sdelay $0x1  }
0x12a: {  	v3 =	vperm.xlane v3, v2;
	v4 =	vadd.s32 v1, v4;
	_ =	sdelay $0x1  }
0x12b: {  	v3 =	vadd.s32 v1, v3;
	_ =	sdelay $0x2  }
0x12c: {  	[tilespmem:s8], [sflag:$0x2] =	stream.indirect_vreg.gather [hbm4b:s4+s2], $0x80, v4, vm0, $0xb8;
	[tilespmem:$0x10200] =	vst v63  }
0x12d: {  	_ = 	snop  }
0x12e: {  	[tilespmem:s9], [sflag:$0x2] =	stream.indirect_vreg.gather [hbm4b:s4+s2], $0x80, v3, vm0, $0xb8;
	[tilespmem:$0x10200] =	vst v63  }
0x12f: {  	v3 =	vld [tilespmem:$0x1A0];
	_ =	sdelay $0x4  }
0x130: {  	v58 =	vshll.u32 v3, $0x1  }
0x131: {  	v3 =	vand.u32 $0x7, v3;
	v4 =	vand.u32 $0xFFFFFFF0, v58  }
0x132: {  	v3 =	vor.u32 v3, v4  }
0x133: {  	v4 =	vperm.xlane v3, v0;
	_ =	sdelay $0x1  }
0x134: {  	v3 =	vperm.xlane v3, v2;
	v4 =	vadd.s32 v1, v4;
	_ =	sdelay $0x1  }
0x135: {  	v3 =	vadd.s32 v1, v3;
	_ =	sdelay $0x2  }
0x136: {  	[tilespmem:s10], [sflag:$0x2] =	stream.indirect_vreg.gather [hbm4b:s4+s2], $0x80, v4, vm0, $0xb8;
	[tilespmem:$0x10200] =	vst v63  }
0x137: {  	_ = 	snop  }
0x138: {  	[tilespmem:s3], [sflag:$0x2] =	stream.indirect_vreg.gather [hbm4b:s4+s2], $0x80, v3, vm0, $0xb8;
	[tilespmem:$0x10200] =	vst v63  }
0x139: {  	v3 =	vld [tilespmem:$0x1B0];
	_ =	sdelay $0x4  }
0x13a: {  	v59 =	vshll.u32 v3, $0x1  }
0x13b: {  	v3 =	vand.u32 $0x7, v3;
	v4 =	vand.u32 $0xFFFFFFF0, v59  }
0x13c: {  	v3 =	vor.u32 v3, v4  }
0x13d: {  	v4 =	vperm.xlane v3, v0;
	_ =	sdelay $0x1  }
0x13e: {  	v3 =	vperm.xlane v3, v2;
	v4 =	vadd.s32 v1, v4;
	_ =	sdelay $0x1  }
0x13f: {  	v3 =	vadd.s32 v1, v3;
	_ =	sdelay $0x2  }
0x140: {  	[tilespmem:s12], [sflag:$0x2] =	stream.indirect_vreg.gather [hbm4b:s4+s2], $0x80, v4, vm0, $0xb8;
	[tilespmem:$0x10200] =	vst v63  }
0x141: {  	_ = 	snop  }
0x142: {  	[tilespmem:s13], [sflag:$0x2] =	stream.indirect_vreg.gather [hbm4b:s4+s2], $0x80, v3, vm0, $0xb8;
	[tilespmem:$0x10200] =	vst v63  }
0x143: {  	v3 =	vld [tilespmem:$0x1C0];
	_ =	sdelay $0x4  }
0x144: {  	v60 =	vshll.u32 v3, $0x1  }
0x145: {  	v3 =	vand.u32 $0x7, v3;
	v4 =	vand.u32 $0xFFFFFFF0, v60  }
0x146: {  	v3 =	vor.u32 v3, v4  }
0x147: {  	v4 =	vperm.xlane v3, v0;
	_ =	sdelay $0x1  }
0x148: {  	v3 =	vperm.xlane v3, v2;
	v4 =	vadd.s32 v1, v4;
	_ =	sdelay $0x1  }
0x149: {  	v3 =	vadd.s32 v1, v3;
	_ =	sdelay $0x2  }
0x14a: {  	[tilespmem:s7], [sflag:$0x2] =	stream.indirect_vreg.gather [hbm4b:s4+s2], $0x80, v4, vm0, $0xb8;
	[tilespmem:$0x10200] =	vst v63  }
0x14b: {  	s16 =	simm.s32 $0xCA00  }
0x14c: {  	[tilespmem:s16], [sflag:$0x2] =	stream.indirect_vreg.gather [hbm4b:s4+s2], $0x80, v3, vm0, $0xb8;
	[tilespmem:$0x10200] =	vst v63  }
0x14d: {  	v3 =	vld [tilespmem:$0x1D0];
	_ =	sdelay $0x4  }
0x14e: {  	v61 =	vshll.u32 v3, $0x1  }
0x14f: {  	v3 =	vand.u32 $0x7, v3;
	v4 =	vand.u32 $0xFFFFFFF0, v61  }
0x150: {  	v3 =	vor.u32 v3, v4  }
0x151: {  	v4 =	vperm.xlane v3, v0;
	_ =	sdelay $0x1  }
0x152: {  	v3 =	vperm.xlane v3, v2;
	v4 =	vadd.s32 v1, v4;
	_ =	sdelay $0x1  }
0x153: {  	v3 =	vadd.s32 v1, v3;
	_ =	sdelay $0x1  }
0x154: {  	s3 =	simm.s32 $0xD200  }
0x155: {  	[tilespmem:s3], [sflag:$0x2] =	stream.indirect_vreg.gather [hbm4b:s4+s2], $0x80, v4, vm0, $0xb8;
	[tilespmem:$0x10200] =	vst v63  }
0x156: {  	s16 =	simm.s32 $0xDA00  }
0x157: {  	[tilespmem:s16], [sflag:$0x2] =	stream.indirect_vreg.gather [hbm4b:s4+s2], $0x80, v3, vm0, $0xb8;
	[tilespmem:$0x10200] =	vst v63  }
0x158: {  	v3 =	vld [tilespmem:$0x1E0];
	_ =	sdelay $0x4  }
0x159: {  	v62 =	vshll.u32 v3, $0x1  }
0x15a: {  	v3 =	vand.u32 $0x7, v3;
	v4 =	vand.u32 $0xFFFFFFF0, v62  }
0x15b: {  	v3 =	vor.u32 v3, v4  }
0x15c: {  	v4 =	vperm.xlane v3, v0;
	_ =	sdelay $0x1  }
0x15d: {  	v3 =	vperm.xlane v3, v2;
	v4 =	vadd.s32 v1, v4;
	_ =	sdelay $0x1  }
0x15e: {  	v3 =	vadd.s32 v1, v3;
	_ =	sdelay $0x1  }
0x15f: {  	s3 =	simm.s32 $0xE200  }
0x160: {  	[tilespmem:s3], [sflag:$0x2] =	stream.indirect_vreg.gather [hbm4b:s4+s2], $0x80, v4, vm0, $0xb8;
	[tilespmem:$0x10200] =	vst v63  }
0x161: {  	s16 =	simm.s32 $0xEA00  }
0x162: {  	[tilespmem:s16], [sflag:$0x2] =	stream.indirect_vreg.gather [hbm4b:s4+s2], $0x80, v3, vm0, $0xb8;
	[tilespmem:$0x10200] =	vst v63  }
0x163: {  	v3 =	vld [tilespmem:$0x1F0];
	_ =	sdelay $0x4  }
0x164: {  	v63 =	vshll.u32 v3, $0x1  }
0x165: {  	v3 =	vand.u32 $0x7, v3;
	v4 =	vand.u32 $0xFFFFFFF0, v63  }
0x166: {  	v3 =	vor.u32 v3, v4  }
0x167: {  	v4 =	vperm.xlane v3, v0;
	_ =	sdelay $0x1  }
0x168: {  	v3 =	vperm.xlane v3, v2;
	v4 =	vadd.s32 v1, v4;
	_ =	sdelay $0x1  }
0x169: {  	v3 =	vadd.s32 v1, v3;
	_ =	sdelay $0x1  }
0x16a: {  	s3 =	simm.s32 $0xF200  }
0x16b: {  	[tilespmem:s3], [sflag:$0x2] =	stream.indirect_vreg.gather [hbm4b:s4+s2], $0x80, v4, vm0, $0xb8;
	[tilespmem:$0x10200] =	vst v63  }
0x16c: {  	s16 =	simm.s32 $0xFA00  }
0x16d: {  	[tilespmem:s16], [sflag:$0x2] =	stream.indirect_vreg.gather [hbm4b:s4+s2], $0x80, v3, vm0, $0xb8;
	[tilespmem:$0x10200] =	vst v63  }
0x16e: {  	_ =	swait.ge [sflag:s1], $0x8000  }
0x16f: {  	[sflag:s1] =	ssyncset.done $0x0  }
0x170: {  	s11 =	simm.s32 $0x200;
	s3 =	rddreg [dreg:$0x5];
	[sflag:s1] =	ssyncadd.s32 $0xFFFF8000  }
0x171: {  	[hbm4b:s3+s2] =	stream.linear.scatter [tilespmem:s11], [sflag:$0x3], $0x8000, $0x38;
	[tilespmem:$0x10200] =	vst v63  }
0x172: {  	_ =	swait.ge [sflag:s6], $0x8000  }
0x173: {  	[sflag:s6] =	ssyncset.done $0x0  }
0x174: {  	[sflag:s6] =	ssyncadd.s32 $0xFFFF8000  }
0x175: {  	_ =	swait.ge [sflag:s15], $0x8000  }
0x176: {  	p0 =	sne.s32 s5, $0x1;
	[sflag:s15] =	ssyncset.done $0x0  }
.Ltmp0:
0x177: {  	s11 =	rddreg [dreg:$0x6];
	[sflag:s15] =	ssyncadd.s32 $0xFFFF8000;
	(pc) =	sbr.rel @p0 .LBB2_1-.Ltmp0, $4  }
0x178: {  	[hbm4b:s11+s2] =	stream.linear.scatter [tilespmem:s14], [sflag:$0x3], $0x8000, $0x38;
	[tilespmem:$0x10200] =	vst v63  }
0x179: {  	_ =	swait.ge [sflag:s6], $0x8000  }
0x17a: {  	[sflag:s6] =	ssyncset.done $0x0  }
0x17b: {  	s5 =	sadd.s32 $0xFFFFFFFF, s5;
	[sflag:s6] =	ssyncadd.s32 $0xFFFF8000  }
0x17c: {  	_ =	sfence.sel $0x180000  }
0x17d: {  	[bflag:$0x0] =	sbarrier.arrive $0xFFFF  }
0x17e: {  	_ =	strace $0x9000004A  }
0x17f: {  	s0 =	stileid.u32;
	[bflag:$0x2] =	sbarrier.arrive $0xFFFF  }
0x180: {  	p0 =	sne.s32 s0, $0x0;
	s0 =	rddreg [dreg:$0x2]  }
0x181: {  	s0 =	sadd.s32 @!p0 $0x100000, s0  }
0x182: {  	[sflag:s0] =	ssyncadd.tile.s32 @!p0 $0x1;
	_ =	shalt  }
.Lfunc_end2:
_tile_overlayer_lowered:
.L_overlay_start_2:
0x183: {  	(tag) =	ssettag $0x2  }
0x184: {  	s0 =	rddreg [dreg:$0x0];
	s2 =	stileid.u32  }
0x185: {  	s1 =	rddreg [dreg:$0x1];
	p0 =	sne.s32 s2, $0x0  }
0x186: {  	s3 =	rddreg [dreg:$0x2];
	[bflag:$0x3] =	sbarrier.arrive $0xFFFF;
	s2 =	simm.s32 @!p0 $0x1C03  }
0x187: {  	[timem:s3], [sflag:s2] =	dma.local @!p0 [hbm:s0], s1  }
0x188: {  	s0 =	simm.s32 @!p0 $0x3  }
0x189: {  	_ =	swait.ge @!p0 [sflag:s0], s1  }
0x18a: {  	s1 =	ssub.s32 @!p0 $0x0, s1;
	[sflag:s0] =	ssyncset.done @!p0 $0x0  }
0x18b: {  	[sflag:s0] =	ssyncadd.s32 @!p0 s1  }
0x18c: {  	[bflag:$0x3] =	sbarrier.arrive $0xFFFF  }
0x18d: {  	_ =	shalt  }

</sc_bundles>
